<compile_context>
chip_gen: v7x
topology: tpu7x:2x2x1
jax: 0.10.2.dev20260603
libtpu: 0.0.44.dev20260713+nightly
codegen_flags: <defaults>
</compile_context>

<pallas_src>
import functools

import jax
import jax.numpy as jnp
from jax import lax
from jax.experimental import pallas as pl
from jax.experimental.pallas import tpu as pltpu
from jax.experimental.pallas import tpu_sc as plsc

ROWS = 2048
COLS = 8192
NUM_CORES = 2
NUM_SUBCORES = 16
NW = NUM_CORES * NUM_SUBCORES
ROWS_W = ROWS // NW
BLK_R = 8
BLK_C = 2048
N_BLK = (ROWS_W // BLK_R) * (COLS // BLK_C)
CB = COLS // BLK_C
G = N_BLK // 2
LANES = 16

_GDN = lax.GatherDimensionNumbers(
    offset_dims=(), collapsed_slice_dims=(0,), start_index_map=(0,))


def _vgather(v, idx):
    return lax.gather(v, idx[:, None], _GDN, slice_sizes=(1,),
                      mode=lax.GatherScatterMode.PROMISE_IN_BOUNDS)


_mesh = plsc.VectorSubcoreMesh(core_axis_name="c", subcore_axis_name="s")


@functools.partial(
    pl.kernel,
    mesh=_mesh,
    out_type=jax.ShapeDtypeStruct((ROWS, COLS), jnp.float32),
    scratch_types=[
        pltpu.VMEM((BLK_R, BLK_C), jnp.int32),
        pltpu.VMEM((BLK_R, BLK_C), jnp.int32),
        pltpu.VMEM((BLK_R, BLK_C), jnp.int32),
        pltpu.VMEM((BLK_R, BLK_C), jnp.int32),
        pltpu.SemaphoreType.DMA,
        pltpu.SemaphoreType.DMA,
        pltpu.SemaphoreType.DMA,
        pltpu.SemaphoreType.DMA,
    ],
)
def _sc_prune(x_f, out_f, in0, in1, out0, out1,
              sem_in0, sem_in1, sem_out0, sem_out1):
    x_hbm = x_f.bitcast(jnp.int32)
    out_hbm = out_f.bitcast(jnp.int32)
    wid = lax.axis_index("s") * NUM_CORES + lax.axis_index("c")
    row0 = wid * ROWS_W

    lane = lax.iota(jnp.int32, LANES)
    p1 = lane ^ 1
    p2 = lane ^ 2
    p3 = lane ^ 3
    t1 = lane & 1
    t2 = (lane >> 1) & 1
    t3 = t2

    def blk(ci):
        r = row0 + (ci // CB) * BLK_R
        c = (ci % CB) * BLK_C
        return r, c

    def start_in(ci, buf, sem):
        r, c = blk(ci)
        pltpu.async_copy(x_hbm.at[pl.ds(r, BLK_R), pl.ds(c, BLK_C)], buf, sem)

    def wait_in(buf, sem):
        pltpu.make_async_copy(
            x_hbm.at[pl.ds(row0, BLK_R), pl.ds(0, BLK_C)], buf, sem).wait()

    def start_out(ci, buf, sem):
        r, c = blk(ci)
        pltpu.async_copy(buf, out_hbm.at[pl.ds(r, BLK_R), pl.ds(c, BLK_C)], sem)

    def wait_out(buf, sem):
        pltpu.make_async_copy(
            buf, out_hbm.at[pl.ds(row0, BLK_R), pl.ds(0, BLK_C)], sem).wait()

    def compute(in_v, out_v):
        def _row(r):
            def _body(it, carry):
                x = in_v[r, pl.ds(it * LANES, LANES)]
                ab = x & 0x7FFFFFFF
                a1 = ab + t1
                a2 = ab + t2
                b1 = _vgather(ab, p1)
                b2 = _vgather(ab, p2)
                b3 = _vgather(ab, p3)
                c1 = b1 < a1
                c2 = b2 < a2
                c3 = b3 < a2
                keep = (c1 & c2) | ((c1 | c2) & c3)
                out_v[r, pl.ds(it * LANES, LANES)] = jnp.where(keep, x, 0)
                return carry

            lax.fori_loop(0, BLK_C // LANES, _body, 0)

        for r in range(BLK_R):
            _row(r)

    start_in(0, in0, sem_in0)

    def pair_body(g, carry):
        c0 = 2 * g
        start_in(c0 + 1, in1, sem_in1)
        wait_in(in0, sem_in0)

        @pl.when(g > 0)
        def _():
            wait_out(out0, sem_out0)

        compute(in0, out0)
        start_out(c0, out0, sem_out0)

        @pl.when(g < G - 1)
        def _():
            start_in(c0 + 2, in0, sem_in0)

        wait_in(in1, sem_in1)

        @pl.when(g > 0)
        def _():
            wait_out(out1, sem_out1)

        compute(in1, out1)
        start_out(c0 + 1, out1, sem_out1)
        return carry

    lax.fori_loop(0, G, pair_body, 0)
    wait_out(out0, sem_out0)
    wait_out(out1, sem_out1)


def kernel(inputs):
    return _sc_prune(inputs)

# --- scband reference (transcript-rebuilt; emitter-appended) ---
"""Pipeline reference for scband-sparsity-27066883899821 (READ-ONLY COPY).

The authoritative reference and input builder live on the scoring server;
editing this copy changes nothing except your own understanding.
"""

import jax, jax.numpy as jnp
import numpy as np

N_SPARSITY = 2
M_SPARSITY = 4


def setup_inputs(seed: int = 0) -> dict:
    key = jax.random.key(seed)
    inputs = jax.random.normal(key, (2048, 8192), dtype=jnp.float32)
    return {"inputs": inputs}


def get_pruning_n_m_mask(inputs, n, m, absolute=True, smallest=True):
    # order='R', offset=0 path of the original implementation
    length = inputs.size
    assert length % m == 0
    group = length // m
    vals = jnp.abs(inputs) if absolute else inputs
    vals = vals.reshape(group, m)
    mask = jnp.ones((group, m), dtype=bool)
    if smallest:
        _, top_k_indices = jax.lax.top_k(-vals, k=m - n)
    else:
        _, top_k_indices = jax.lax.top_k(vals, k=m - n)
    mask = jax.vmap(lambda x, i: x.at[i].set(False))(mask, top_k_indices)
    return mask.reshape(inputs.shape)


def reference(inputs):
    # sr_ste forward with update_mask=True, apply_mask=True:
    # compute fresh 2:4 structured mask, then apply it to the inputs.
    updated_mask = get_pruning_n_m_mask(inputs, N_SPARSITY, M_SPARSITY,
                                        absolute=True, smallest=True)
    updated_inputs = jnp.multiply(updated_mask, inputs)
    return updated_inputs

if __name__ == "__main__":
    import jax
    _d = setup_inputs()
    print(jax.jit(kernel)(*tuple(_d.values())))

</pallas_src>

<mosaic_0001>
#map = affine_map<(d0, d1) -> (0, 0)>
module attributes {stable_mosaic.version = 14 : i64} {
  func.func @_sc_prune(%arg0: i32, %arg1: i32, %arg2: memref<2048x8192xf32, #tpu.memory_space<hbm>>, %arg3: memref<2048x8192xf32, #tpu.memory_space<hbm>>, %arg4: memref<8x2048xi32, #tpu.memory_space<vmem>>, %arg5: memref<8x2048xi32, #tpu.memory_space<vmem>>, %arg6: memref<8x2048xi32, #tpu.memory_space<vmem>>, %arg7: memref<8x2048xi32, #tpu.memory_space<vmem>>, %arg8: memref<!tpu.dma_semaphore, #tpu.memory_space<semaphore_mem>>, %arg9: memref<!tpu.dma_semaphore, #tpu.memory_space<semaphore_mem>>, %arg10: memref<!tpu.dma_semaphore, #tpu.memory_space<semaphore_mem>>, %arg11: memref<!tpu.dma_semaphore, #tpu.memory_space<semaphore_mem>>) attributes {dimension_semantics = [#tpu.dimension_semantics<core_parallel>, #tpu.dimension_semantics<subcore_parallel>], iteration_bounds = array<i64: 2, 16>, scalar_prefetch = 0 : i64, scratch_operands = 8 : i64, tpu.core_type = #tpu.core_type<sc_vector_subcore>, window_params = [{transform_indices = #map}, {transform_indices = #map}]} {
    %mul3A = arith.constant 2 : i32
    %mul3A_0 = arith.muli %arg1, %mul3A : i32
    %add3A = arith.addi %mul3A_0, %arg0 : i32
    %mul3A_1 = arith.constant 64 : i32
    %mul3A_2 = arith.muli %add3A, %mul3A_1 : i32
    %iota3A = tpu.iota {dimensions = array<i32: 0>} : vector<16xi32>
    %xor3A = arith.constant 1 : i32
    %xor3A_3 = vector.broadcast %xor3A : i32 to vector<16xi32>
    %xor3A_4 = arith.xori %iota3A, %xor3A_3 : vector<16xi32>
    %xor3A_5 = arith.constant 2 : i32
    %xor3A_6 = vector.broadcast %xor3A_5 : i32 to vector<16xi32>
    %xor3A_7 = arith.xori %iota3A, %xor3A_6 : vector<16xi32>
    %xor3A_8 = arith.constant 3 : i32
    %xor3A_9 = vector.broadcast %xor3A_8 : i32 to vector<16xi32>
    %xor3A_10 = arith.xori %iota3A, %xor3A_9 : vector<16xi32>
    %and3A = arith.constant 1 : i32
    %and3A_11 = vector.broadcast %and3A : i32 to vector<16xi32>
    %and3A_12 = arith.andi %iota3A, %and3A_11 : vector<16xi32>
    %shift_right_arithmetic3A = arith.constant 1 : i32
    %shift_right_arithmetic3A_13 = vector.broadcast %shift_right_arithmetic3A : i32 to vector<16xi32>
    %shift_right_arithmetic3A_14 = arith.shrsi %iota3A, %shift_right_arithmetic3A_13 : vector<16xi32>
    %and3A_15 = arith.constant 1 : i32
    %and3A_16 = vector.broadcast %and3A_15 : i32 to vector<16xi32>
    %and3A_17 = arith.andi %shift_right_arithmetic3A_14, %and3A_16 : vector<16xi32>
    %add3A_18 = arith.constant 0 : i32
    %add3A_19 = arith.addi %mul3A_2, %add3A_18 : i32
    %dma_start3A = tpu.memref_bitcast %arg2 : memref<2048x8192xf32, #tpu.memory_space<hbm>> -> memref<2048x8192xi32, #tpu.memory_space<hbm>>
    %dma_start3A_20 = arith.constant 0 : i32
    %dma_start3A_21 = tpu.memref_slice %dma_start3A[%add3A_19, %dma_start3A_20] : memref<2048x8192xi32, #tpu.memory_space<hbm>> -> memref<8x2048xi32, #tpu.memory_space<hbm>>
    %dma_start3A_22 = tpu.memref_bitcast %arg2 : memref<2048x8192xf32, #tpu.memory_space<hbm>> -> memref<2048x8192xi32, #tpu.memory_space<hbm>>
    %dma_start3A_23 = arith.constant 0 : i32
    %dma_start3A_24 = tpu.memref_slice %dma_start3A_22[%add3A_19, %dma_start3A_23] : memref<2048x8192xi32, #tpu.memory_space<hbm>> -> memref<8x2048xi32, #tpu.memory_space<hbm>>
    tpu.enqueue_dma source(%dma_start3A_24 : memref<8x2048xi32, #tpu.memory_space<hbm>>) target(%arg4 : memref<8x2048xi32, #tpu.memory_space<vmem>>) target_semaphore(%arg8 : memref<!tpu.dma_semaphore, #tpu.memory_space<semaphore_mem>>)
    %scan3A = arith.constant 0 : i32
    %scan3A_25 = arith.constant 0 : i32
    %scan3A_26 = arith.constant 16 : i32
    %scan3A_27 = arith.addi %scan3A_25, %scan3A_26 : i32
    %scan3A_28 = arith.constant 1 : i32
    scf.for %scan3A_41 = %scan3A_25 to %scan3A_27 step %scan3A_28  : i32 {
      %mul3A_42 = arith.constant 2 : i32
      %mul3A_43 = arith.muli %mul3A_42, %scan3A_41 : i32
      %add3A_44 = arith.constant 1 : i32
      %add3A_45 = arith.addi %mul3A_43, %add3A_44 : i32
      %jit3A = arith.constant 4 : i32
      %div3A = arith.divsi %add3A_45, %jit3A : i32
      %sign3A = arith.constant 0 : i32
      %sign3A_46 = arith.cmpi sgt, %add3A_45, %sign3A : i32
      %sign3A_47 = arith.extui %sign3A_46 : i1 to i32
      %sign3A_48 = arith.constant 0 : i32
      %sign3A_49 = arith.cmpi slt, %add3A_45, %sign3A_48 : i32
      %sign3A_50 = arith.extui %sign3A_49 : i1 to i32
      %sign3A_51 = arith.subi %sign3A_47, %sign3A_50 : i32
      %sign3A_52 = arith.constant 0 : i32
      %sign3A_53 = arith.cmpi sgt, %jit3A, %sign3A_52 : i32
      %sign3A_54 = arith.extui %sign3A_53 : i1 to i32
      %sign3A_55 = arith.constant 0 : i32
      %sign3A_56 = arith.cmpi slt, %jit3A, %sign3A_55 : i32
      %sign3A_57 = arith.extui %sign3A_56 : i1 to i32
      %sign3A_58 = arith.subi %sign3A_54, %sign3A_57 : i32
      %ne3A = arith.cmpi ne, %sign3A_51, %sign3A_58 : i32
      %rem3A = arith.remsi %add3A_45, %jit3A : i32
      %ne3A_59 = arith.constant 0 : i32
      %ne3A_60 = arith.cmpi ne, %rem3A, %ne3A_59 : i32
      %and3A_61 = arith.andi %ne3A, %ne3A_60 : i1
      %sub3A = arith.constant 1 : i32
      %sub3A_62 = arith.subi %div3A, %sub3A : i32
      %select_n3A = arith.select %and3A_61, %sub3A_62, %div3A : i32
      %mul3A_63 = arith.constant 8 : i32
      %mul3A_64 = arith.muli %select_n3A, %mul3A_63 : i32
      %add3A_65 = arith.addi %mul3A_2, %mul3A_64 : i32
      %jit3A_66 = arith.constant 4 : i32
      %eq3A = arith.constant 0 : i32
      %eq3A_67 = arith.cmpi eq, %jit3A_66, %eq3A : i32
      %jit3A_68 = arith.constant 1 : i32
      %select_n3A_69 = arith.select %eq3A_67, %jit3A_68, %jit3A_66 : i32
      %rem3A_70 = arith.remsi %add3A_45, %select_n3A_69 : i32
      %ne3A_71 = arith.constant 0 : i32
      %ne3A_72 = arith.cmpi ne, %rem3A_70, %ne3A_71 : i32
      %lt3A = arith.constant 0 : i32
      %lt3A_73 = arith.cmpi slt, %rem3A_70, %lt3A : i32
      %lt3A_74 = arith.constant 0 : i32
      %lt3A_75 = arith.cmpi slt, %select_n3A_69, %lt3A_74 : i32
      %ne3A_76 = arith.xori %lt3A_73, %lt3A_75 : i1
      %and3A_77 = arith.andi %ne3A_76, %ne3A_72 : i1
      %add3A_78 = arith.addi %rem3A_70, %select_n3A_69 : i32
      %select_n3A_79 = arith.select %and3A_77, %add3A_78, %rem3A_70 : i32
      %mul3A_80 = arith.constant 2048 : i32
      %mul3A_81 = arith.muli %select_n3A_79, %mul3A_80 : i32
      %dma_start3A_82 = tpu.memref_bitcast %arg2 : memref<2048x8192xf32, #tpu.memory_space<hbm>> -> memref<2048x8192xi32, #tpu.memory_space<hbm>>
      %dma_start3A_83 = tpu.memref_slice %dma_start3A_82[%add3A_65, %mul3A_81] : memref<2048x8192xi32, #tpu.memory_space<hbm>> -> memref<8x2048xi32, #tpu.memory_space<hbm>>
      %dma_start3A_84 = tpu.memref_bitcast %arg2 : memref<2048x8192xf32, #tpu.memory_space<hbm>> -> memref<2048x8192xi32, #tpu.memory_space<hbm>>
      %dma_start3A_85 = tpu.memref_slice %dma_start3A_84[%add3A_65, %mul3A_81] : memref<2048x8192xi32, #tpu.memory_space<hbm>> -> memref<8x2048xi32, #tpu.memory_space<hbm>>
      tpu.enqueue_dma source(%dma_start3A_85 : memref<8x2048xi32, #tpu.memory_space<hbm>>) target(%arg5 : memref<8x2048xi32, #tpu.memory_space<vmem>>) target_semaphore(%arg9 : memref<!tpu.dma_semaphore, #tpu.memory_space<semaphore_mem>>)
      %dma_wait3A_86 = tpu.memref_bitcast %arg2 : memref<2048x8192xf32, #tpu.memory_space<hbm>> -> memref<2048x8192xi32, #tpu.memory_space<hbm>>
      %dma_wait3A_87 = arith.constant 0 : i32
      %dma_wait3A_88 = tpu.memref_slice %dma_wait3A_86[%mul3A_2, %dma_wait3A_87] : memref<2048x8192xi32, #tpu.memory_space<hbm>> -> memref<8x2048xi32, #tpu.memory_space<hbm>>
      %dma_wait3A_89 = tpu.memref_bitcast %arg2 : memref<2048x8192xf32, #tpu.memory_space<hbm>> -> memref<2048x8192xi32, #tpu.memory_space<hbm>>
      %dma_wait3A_90 = arith.constant 0 : i32
      %dma_wait3A_91 = tpu.memref_slice %dma_wait3A_89[%mul3A_2, %dma_wait3A_90] : memref<2048x8192xi32, #tpu.memory_space<hbm>> -> memref<8x2048xi32, #tpu.memory_space<hbm>>
      tpu.wait_dma2 semaphore(%arg8 : memref<!tpu.dma_semaphore, #tpu.memory_space<semaphore_mem>>) src(%dma_wait3A_91 : memref<8x2048xi32, #tpu.memory_space<hbm>>) dst(%arg4 : memref<8x2048xi32, #tpu.memory_space<vmem>>)
      %gt3A = arith.constant 0 : i32
      %gt3A_92 = arith.cmpi sgt, %scan3A_41, %gt3A : i32
      %convert_element_type3A = arith.extui %gt3A_92 : i1 to i32
      %cond3A = arith.constant 0 : i32
      %cond3A_93 = arith.cmpi ne, %convert_element_type3A, %cond3A : i32
      scf.if %cond3A_93 {
        %dma_wait3A_306 = tpu.memref_bitcast %arg3 : memref<2048x8192xf32, #tpu.memory_space<hbm>> -> memref<2048x8192xi32, #tpu.memory_space<hbm>>
        %dma_wait3A_307 = arith.constant 0 : i32
        %dma_wait3A_308 = tpu.memref_slice %dma_wait3A_306[%mul3A_2, %dma_wait3A_307] : memref<2048x8192xi32, #tpu.memory_space<hbm>> -> memref<8x2048xi32, #tpu.memory_space<hbm>>
        %dma_wait3A_309 = tpu.memref_bitcast %arg3 : memref<2048x8192xf32, #tpu.memory_space<hbm>> -> memref<2048x8192xi32, #tpu.memory_space<hbm>>
        %dma_wait3A_310 = arith.constant 0 : i32
        %dma_wait3A_311 = tpu.memref_slice %dma_wait3A_309[%mul3A_2, %dma_wait3A_310] : memref<2048x8192xi32, #tpu.memory_space<hbm>> -> memref<8x2048xi32, #tpu.memory_space<hbm>>
        tpu.wait_dma2 semaphore(%arg10 : memref<!tpu.dma_semaphore, #tpu.memory_space<semaphore_mem>>) src(%arg6 : memref<8x2048xi32, #tpu.memory_space<vmem>>) dst(%dma_wait3A_311 : memref<8x2048xi32, #tpu.memory_space<hbm>>)
      } else {
      }
      %scan3A_94 = arith.constant 0 : i32
      %scan3A_95 = arith.constant 0 : i32
      %scan3A_96 = arith.constant 128 : i32
      %scan3A_97 = arith.addi %scan3A_95, %scan3A_96 : i32
      %scan3A_98 = arith.constant 1 : i32
      scf.for %scan3A_306 = %scan3A_95 to %scan3A_97 step %scan3A_98  : i32 {
        %mul3A_307 = arith.constant 16 : i32
        %mul3A_308 = arith.muli %scan3A_306, %mul3A_307 : i32
        %get3A = arith.constant 0 : i32
        %get3A_309 = arith.index_cast %get3A : i32 to index
        %get3A_310 = arith.index_cast %mul3A_308 : i32 to index
        %get3A_311 = tpu.vector_load %arg4[%get3A_309, %get3A_310] {strides = array<i32>} : memref<8x2048xi32, #tpu.memory_space<vmem>>, vector<1x16xi32>,
        %get3A_312 = vector.shape_cast %get3A_311 : vector<1x16xi32> to vector<16xi32>
        %and3A_313 = arith.constant 2147483647 : i32
        %and3A_314 = vector.broadcast %and3A_313 : i32 to vector<16xi32>
        %and3A_315 = arith.andi %get3A_312, %and3A_314 : vector<16xi32>
        %add3A_316 = arith.addi %and3A_315, %and3A_12 : vector<16xi32>
        %add3A_317 = arith.addi %and3A_315, %and3A_17 : vector<16xi32>
        %broadcast_in_dim3A = vector.shape_cast %xor3A_4 : vector<16xi32> to vector<16x1xi32>
        %gather3A = vector.shape_cast %broadcast_in_dim3A : vector<16x1xi32> to vector<16xi32>
        %gather3A_318 = tpu.dynamic_gather %and3A_315[%gather3A] in [0] : vector<16xi32>, vector<16xi32> -> vector<16xi32>
        %broadcast_in_dim3A_319 = vector.shape_cast %xor3A_7 : vector<16xi32> to vector<16x1xi32>
        %gather3A_320 = vector.shape_cast %broadcast_in_dim3A_319 : vector<16x1xi32> to vector<16xi32>
        %gather3A_321 = tpu.dynamic_gather %and3A_315[%gather3A_320] in [0] : vector<16xi32>, vector<16xi32> -> vector<16xi32>
        %broadcast_in_dim3A_322 = vector.shape_cast %xor3A_10 : vector<16xi32> to vector<16x1xi32>
        %gather3A_323 = vector.shape_cast %broadcast_in_dim3A_322 : vector<16x1xi32> to vector<16xi32>
        %gather3A_324 = tpu.dynamic_gather %and3A_315[%gather3A_323] in [0] : vector<16xi32>, vector<16xi32> -> vector<16xi32>
        %lt3A_325 = arith.cmpi slt, %gather3A_318, %add3A_316 : vector<16xi32>
        %lt3A_326 = arith.cmpi slt, %gather3A_321, %add3A_317 : vector<16xi32>
        %lt3A_327 = arith.cmpi slt, %gather3A_324, %add3A_317 : vector<16xi32>
        %and3A_328 = arith.andi %lt3A_325, %lt3A_326 : vector<16xi1>
        %or3A = arith.ori %lt3A_325, %lt3A_326 : vector<16xi1>
        %and3A_329 = arith.andi %or3A, %lt3A_327 : vector<16xi1>
        %or3A_330 = arith.ori %and3A_328, %and3A_329 : vector<16xi1>
        %jit3A_331 = arith.constant 0 : i32
        %broadcast_in_dim3A_332 = vector.broadcast %jit3A_331 : i32 to vector<16xi32>
        %select_n3A_333 = arith.select %or3A_330, %get3A_312, %broadcast_in_dim3A_332 : vector<16xi1>, vector<16xi32>
        %mul3A_334 = arith.constant 16 : i32
        %mul3A_335 = arith.muli %scan3A_306, %mul3A_334 : i32
        %swap3A = arith.constant 0 : i32
        %swap3A_336 = arith.index_cast %swap3A : i32 to index
        %swap3A_337 = arith.index_cast %mul3A_335 : i32 to index
        %swap3A_338 = tpu.vector_load %arg6[%swap3A_336, %swap3A_337] {strides = array<i32>} : memref<8x2048xi32, #tpu.memory_space<vmem>>, vector<1x16xi32>,
        %swap3A_339 = vector.shape_cast %swap3A_338 : vector<1x16xi32> to vector<16xi32>
        %swap3A_340 = vector.shape_cast %select_n3A_333 : vector<16xi32> to vector<1x16xi32>
        tpu.vector_store %arg6[%swap3A_336, %swap3A_337], %swap3A_340 {strides = array<i32>} : memref<8x2048xi32, #tpu.memory_space<vmem>>, vector<1x16xi32>,
      }
      %scan3A_99 = arith.constant 128 : i32
      %scan3A_100 = arith.constant 0 : i32
      %scan3A_101 = arith.constant 0 : i32
      %scan3A_102 = arith.constant 128 : i32
      %scan3A_103 = arith.addi %scan3A_101, %scan3A_102 : i32
      %scan3A_104 = arith.constant 1 : i32
      scf.for %scan3A_306 = %scan3A_101 to %scan3A_103 step %scan3A_104  : i32 {
        %mul3A_307 = arith.constant 16 : i32
        %mul3A_308 = arith.muli %scan3A_306, %mul3A_307 : i32
        %get3A = arith.constant 1 : i32
        %get3A_309 = arith.index_cast %get3A : i32 to index
        %get3A_310 = arith.index_cast %mul3A_308 : i32 to index
        %get3A_311 = tpu.vector_load %arg4[%get3A_309, %get3A_310] {strides = array<i32>} : memref<8x2048xi32, #tpu.memory_space<vmem>>, vector<1x16xi32>,
        %get3A_312 = vector.shape_cast %get3A_311 : vector<1x16xi32> to vector<16xi32>
        %and3A_313 = arith.constant 2147483647 : i32
        %and3A_314 = vector.broadcast %and3A_313 : i32 to vector<16xi32>
        %and3A_315 = arith.andi %get3A_312, %and3A_314 : vector<16xi32>
        %add3A_316 = arith.addi %and3A_315, %and3A_12 : vector<16xi32>
        %add3A_317 = arith.addi %and3A_315, %and3A_17 : vector<16xi32>
        %broadcast_in_dim3A = vector.shape_cast %xor3A_4 : vector<16xi32> to vector<16x1xi32>
        %gather3A = vector.shape_cast %broadcast_in_dim3A : vector<16x1xi32> to vector<16xi32>
        %gather3A_318 = tpu.dynamic_gather %and3A_315[%gather3A] in [0] : vector<16xi32>, vector<16xi32> -> vector<16xi32>
        %broadcast_in_dim3A_319 = vector.shape_cast %xor3A_7 : vector<16xi32> to vector<16x1xi32>
        %gather3A_320 = vector.shape_cast %broadcast_in_dim3A_319 : vector<16x1xi32> to vector<16xi32>
        %gather3A_321 = tpu.dynamic_gather %and3A_315[%gather3A_320] in [0] : vector<16xi32>, vector<16xi32> -> vector<16xi32>
        %broadcast_in_dim3A_322 = vector.shape_cast %xor3A_10 : vector<16xi32> to vector<16x1xi32>
        %gather3A_323 = vector.shape_cast %broadcast_in_dim3A_322 : vector<16x1xi32> to vector<16xi32>
        %gather3A_324 = tpu.dynamic_gather %and3A_315[%gather3A_323] in [0] : vector<16xi32>, vector<16xi32> -> vector<16xi32>
        %lt3A_325 = arith.cmpi slt, %gather3A_318, %add3A_316 : vector<16xi32>
        %lt3A_326 = arith.cmpi slt, %gather3A_321, %add3A_317 : vector<16xi32>
        %lt3A_327 = arith.cmpi slt, %gather3A_324, %add3A_317 : vector<16xi32>
        %and3A_328 = arith.andi %lt3A_325, %lt3A_326 : vector<16xi1>
        %or3A = arith.ori %lt3A_325, %lt3A_326 : vector<16xi1>
        %and3A_329 = arith.andi %or3A, %lt3A_327 : vector<16xi1>
        %or3A_330 = arith.ori %and3A_328, %and3A_329 : vector<16xi1>
        %jit3A_331 = arith.constant 0 : i32
        %broadcast_in_dim3A_332 = vector.broadcast %jit3A_331 : i32 to vector<16xi32>
        %select_n3A_333 = arith.select %or3A_330, %get3A_312, %broadcast_in_dim3A_332 : vector<16xi1>, vector<16xi32>
        %mul3A_334 = arith.constant 16 : i32
        %mul3A_335 = arith.muli %scan3A_306, %mul3A_334 : i32
        %swap3A = arith.constant 1 : i32
        %swap3A_336 = arith.index_cast %swap3A : i32 to index
        %swap3A_337 = arith.index_cast %mul3A_335 : i32 to index
        %swap3A_338 = tpu.vector_load %arg6[%swap3A_336, %swap3A_337] {strides = array<i32>} : memref<8x2048xi32, #tpu.memory_space<vmem>>, vector<1x16xi32>,
        %swap3A_339 = vector.shape_cast %swap3A_338 : vector<1x16xi32> to vector<16xi32>
        %swap3A_340 = vector.shape_cast %select_n3A_333 : vector<16xi32> to vector<1x16xi32>
        tpu.vector_store %arg6[%swap3A_336, %swap3A_337], %swap3A_340 {strides = array<i32>} : memref<8x2048xi32, #tpu.memory_space<vmem>>, vector<1x16xi32>,
      }
      %scan3A_105 = arith.constant 128 : i32
      %scan3A_106 = arith.constant 0 : i32
      %scan3A_107 = arith.constant 0 : i32
      %scan3A_108 = arith.constant 128 : i32
      %scan3A_109 = arith.addi %scan3A_107, %scan3A_108 : i32
      %scan3A_110 = arith.constant 1 : i32
      scf.for %scan3A_306 = %scan3A_107 to %scan3A_109 step %scan3A_110  : i32 {
        %mul3A_307 = arith.constant 16 : i32
        %mul3A_308 = arith.muli %scan3A_306, %mul3A_307 : i32
        %get3A = arith.constant 2 : i32
        %get3A_309 = arith.index_cast %get3A : i32 to index
        %get3A_310 = arith.index_cast %mul3A_308 : i32 to index
        %get3A_311 = tpu.vector_load %arg4[%get3A_309, %get3A_310] {strides = array<i32>} : memref<8x2048xi32, #tpu.memory_space<vmem>>, vector<1x16xi32>,
        %get3A_312 = vector.shape_cast %get3A_311 : vector<1x16xi32> to vector<16xi32>
        %and3A_313 = arith.constant 2147483647 : i32
        %and3A_314 = vector.broadcast %and3A_313 : i32 to vector<16xi32>
        %and3A_315 = arith.andi %get3A_312, %and3A_314 : vector<16xi32>
        %add3A_316 = arith.addi %and3A_315, %and3A_12 : vector<16xi32>
        %add3A_317 = arith.addi %and3A_315, %and3A_17 : vector<16xi32>
        %broadcast_in_dim3A = vector.shape_cast %xor3A_4 : vector<16xi32> to vector<16x1xi32>
        %gather3A = vector.shape_cast %broadcast_in_dim3A : vector<16x1xi32> to vector<16xi32>
        %gather3A_318 = tpu.dynamic_gather %and3A_315[%gather3A] in [0] : vector<16xi32>, vector<16xi32> -> vector<16xi32>
        %broadcast_in_dim3A_319 = vector.shape_cast %xor3A_7 : vector<16xi32> to vector<16x1xi32>
        %gather3A_320 = vector.shape_cast %broadcast_in_dim3A_319 : vector<16x1xi32> to vector<16xi32>
        %gather3A_321 = tpu.dynamic_gather %and3A_315[%gather3A_320] in [0] : vector<16xi32>, vector<16xi32> -> vector<16xi32>
        %broadcast_in_dim3A_322 = vector.shape_cast %xor3A_10 : vector<16xi32> to vector<16x1xi32>
        %gather3A_323 = vector.shape_cast %broadcast_in_dim3A_322 : vector<16x1xi32> to vector<16xi32>
        %gather3A_324 = tpu.dynamic_gather %and3A_315[%gather3A_323] in [0] : vector<16xi32>, vector<16xi32> -> vector<16xi32>
        %lt3A_325 = arith.cmpi slt, %gather3A_318, %add3A_316 : vector<16xi32>
        %lt3A_326 = arith.cmpi slt, %gather3A_321, %add3A_317 : vector<16xi32>
        %lt3A_327 = arith.cmpi slt, %gather3A_324, %add3A_317 : vector<16xi32>
        %and3A_328 = arith.andi %lt3A_325, %lt3A_326 : vector<16xi1>
        %or3A = arith.ori %lt3A_325, %lt3A_326 : vector<16xi1>
        %and3A_329 = arith.andi %or3A, %lt3A_327 : vector<16xi1>
        %or3A_330 = arith.ori %and3A_328, %and3A_329 : vector<16xi1>
        %jit3A_331 = arith.constant 0 : i32
        %broadcast_in_dim3A_332 = vector.broadcast %jit3A_331 : i32 to vector<16xi32>
        %select_n3A_333 = arith.select %or3A_330, %get3A_312, %broadcast_in_dim3A_332 : vector<16xi1>, vector<16xi32>
        %mul3A_334 = arith.constant 16 : i32
        %mul3A_335 = arith.muli %scan3A_306, %mul3A_334 : i32
        %swap3A = arith.constant 2 : i32
        %swap3A_336 = arith.index_cast %swap3A : i32 to index
        %swap3A_337 = arith.index_cast %mul3A_335 : i32 to index
        %swap3A_338 = tpu.vector_load %arg6[%swap3A_336, %swap3A_337] {strides = array<i32>} : memref<8x2048xi32, #tpu.memory_space<vmem>>, vector<1x16xi32>,
        %swap3A_339 = vector.shape_cast %swap3A_338 : vector<1x16xi32> to vector<16xi32>
        %swap3A_340 = vector.shape_cast %select_n3A_333 : vector<16xi32> to vector<1x16xi32>
        tpu.vector_store %arg6[%swap3A_336, %swap3A_337], %swap3A_340 {strides = array<i32>} : memref<8x2048xi32, #tpu.memory_space<vmem>>, vector<1x16xi32>,
      }
      %scan3A_111 = arith.constant 128 : i32
      %scan3A_112 = arith.constant 0 : i32
      %scan3A_113 = arith.constant 0 : i32
      %scan3A_114 = arith.constant 128 : i32
      %scan3A_115 = arith.addi %scan3A_113, %scan3A_114 : i32
      %scan3A_116 = arith.constant 1 : i32
      scf.for %scan3A_306 = %scan3A_113 to %scan3A_115 step %scan3A_116  : i32 {
        %mul3A_307 = arith.constant 16 : i32
        %mul3A_308 = arith.muli %scan3A_306, %mul3A_307 : i32
        %get3A = arith.constant 3 : i32
        %get3A_309 = arith.index_cast %get3A : i32 to index
        %get3A_310 = arith.index_cast %mul3A_308 : i32 to index
        %get3A_311 = tpu.vector_load %arg4[%get3A_309, %get3A_310] {strides = array<i32>} : memref<8x2048xi32, #tpu.memory_space<vmem>>, vector<1x16xi32>,
        %get3A_312 = vector.shape_cast %get3A_311 : vector<1x16xi32> to vector<16xi32>
        %and3A_313 = arith.constant 2147483647 : i32
        %and3A_314 = vector.broadcast %and3A_313 : i32 to vector<16xi32>
        %and3A_315 = arith.andi %get3A_312, %and3A_314 : vector<16xi32>
        %add3A_316 = arith.addi %and3A_315, %and3A_12 : vector<16xi32>
        %add3A_317 = arith.addi %and3A_315, %and3A_17 : vector<16xi32>
        %broadcast_in_dim3A = vector.shape_cast %xor3A_4 : vector<16xi32> to vector<16x1xi32>
        %gather3A = vector.shape_cast %broadcast_in_dim3A : vector<16x1xi32> to vector<16xi32>
        %gather3A_318 = tpu.dynamic_gather %and3A_315[%gather3A] in [0] : vector<16xi32>, vector<16xi32> -> vector<16xi32>
        %broadcast_in_dim3A_319 = vector.shape_cast %xor3A_7 : vector<16xi32> to vector<16x1xi32>
        %gather3A_320 = vector.shape_cast %broadcast_in_dim3A_319 : vector<16x1xi32> to vector<16xi32>
        %gather3A_321 = tpu.dynamic_gather %and3A_315[%gather3A_320] in [0] : vector<16xi32>, vector<16xi32> -> vector<16xi32>
        %broadcast_in_dim3A_322 = vector.shape_cast %xor3A_10 : vector<16xi32> to vector<16x1xi32>
        %gather3A_323 = vector.shape_cast %broadcast_in_dim3A_322 : vector<16x1xi32> to vector<16xi32>
        %gather3A_324 = tpu.dynamic_gather %and3A_315[%gather3A_323] in [0] : vector<16xi32>, vector<16xi32> -> vector<16xi32>
        %lt3A_325 = arith.cmpi slt, %gather3A_318, %add3A_316 : vector<16xi32>
        %lt3A_326 = arith.cmpi slt, %gather3A_321, %add3A_317 : vector<16xi32>
        %lt3A_327 = arith.cmpi slt, %gather3A_324, %add3A_317 : vector<16xi32>
        %and3A_328 = arith.andi %lt3A_325, %lt3A_326 : vector<16xi1>
        %or3A = arith.ori %lt3A_325, %lt3A_326 : vector<16xi1>
        %and3A_329 = arith.andi %or3A, %lt3A_327 : vector<16xi1>
        %or3A_330 = arith.ori %and3A_328, %and3A_329 : vector<16xi1>
        %jit3A_331 = arith.constant 0 : i32
        %broadcast_in_dim3A_332 = vector.broadcast %jit3A_331 : i32 to vector<16xi32>
        %select_n3A_333 = arith.select %or3A_330, %get3A_312, %broadcast_in_dim3A_332 : vector<16xi1>, vector<16xi32>
        %mul3A_334 = arith.constant 16 : i32
        %mul3A_335 = arith.muli %scan3A_306, %mul3A_334 : i32
        %swap3A = arith.constant 3 : i32
        %swap3A_336 = arith.index_cast %swap3A : i32 to index
        %swap3A_337 = arith.index_cast %mul3A_335 : i32 to index
        %swap3A_338 = tpu.vector_load %arg6[%swap3A_336, %swap3A_337] {strides = array<i32>} : memref<8x2048xi32, #tpu.memory_space<vmem>>, vector<1x16xi32>,
        %swap3A_339 = vector.shape_cast %swap3A_338 : vector<1x16xi32> to vector<16xi32>
        %swap3A_340 = vector.shape_cast %select_n3A_333 : vector<16xi32> to vector<1x16xi32>
        tpu.vector_store %arg6[%swap3A_336, %swap3A_337], %swap3A_340 {strides = array<i32>} : memref<8x2048xi32, #tpu.memory_space<vmem>>, vector<1x16xi32>,
      }
      %scan3A_117 = arith.constant 128 : i32
      %scan3A_118 = arith.constant 0 : i32
      %scan3A_119 = arith.constant 0 : i32
      %scan3A_120 = arith.constant 128 : i32
      %scan3A_121 = arith.addi %scan3A_119, %scan3A_120 : i32
      %scan3A_122 = arith.constant 1 : i32
      scf.for %scan3A_306 = %scan3A_119 to %scan3A_121 step %scan3A_122  : i32 {
        %mul3A_307 = arith.constant 16 : i32
        %mul3A_308 = arith.muli %scan3A_306, %mul3A_307 : i32
        %get3A = arith.constant 4 : i32
        %get3A_309 = arith.index_cast %get3A : i32 to index
        %get3A_310 = arith.index_cast %mul3A_308 : i32 to index
        %get3A_311 = tpu.vector_load %arg4[%get3A_309, %get3A_310] {strides = array<i32>} : memref<8x2048xi32, #tpu.memory_space<vmem>>, vector<1x16xi32>,
        %get3A_312 = vector.shape_cast %get3A_311 : vector<1x16xi32> to vector<16xi32>
        %and3A_313 = arith.constant 2147483647 : i32
        %and3A_314 = vector.broadcast %and3A_313 : i32 to vector<16xi32>
        %and3A_315 = arith.andi %get3A_312, %and3A_314 : vector<16xi32>
        %add3A_316 = arith.addi %and3A_315, %and3A_12 : vector<16xi32>
        %add3A_317 = arith.addi %and3A_315, %and3A_17 : vector<16xi32>
        %broadcast_in_dim3A = vector.shape_cast %xor3A_4 : vector<16xi32> to vector<16x1xi32>
        %gather3A = vector.shape_cast %broadcast_in_dim3A : vector<16x1xi32> to vector<16xi32>
        %gather3A_318 = tpu.dynamic_gather %and3A_315[%gather3A] in [0] : vector<16xi32>, vector<16xi32> -> vector<16xi32>
        %broadcast_in_dim3A_319 = vector.shape_cast %xor3A_7 : vector<16xi32> to vector<16x1xi32>
        %gather3A_320 = vector.shape_cast %broadcast_in_dim3A_319 : vector<16x1xi32> to vector<16xi32>
        %gather3A_321 = tpu.dynamic_gather %and3A_315[%gather3A_320] in [0] : vector<16xi32>, vector<16xi32> -> vector<16xi32>
        %broadcast_in_dim3A_322 = vector.shape_cast %xor3A_10 : vector<16xi32> to vector<16x1xi32>
        %gather3A_323 = vector.shape_cast %broadcast_in_dim3A_322 : vector<16x1xi32> to vector<16xi32>
        %gather3A_324 = tpu.dynamic_gather %and3A_315[%gather3A_323] in [0] : vector<16xi32>, vector<16xi32> -> vector<16xi32>
        %lt3A_325 = arith.cmpi slt, %gather3A_318, %add3A_316 : vector<16xi32>
        %lt3A_326 = arith.cmpi slt, %gather3A_321, %add3A_317 : vector<16xi32>
        %lt3A_327 = arith.cmpi slt, %gather3A_324, %add3A_317 : vector<16xi32>
        %and3A_328 = arith.andi %lt3A_325, %lt3A_326 : vector<16xi1>
        %or3A = arith.ori %lt3A_325, %lt3A_326 : vector<16xi1>
        %and3A_329 = arith.andi %or3A, %lt3A_327 : vector<16xi1>
        %or3A_330 = arith.ori %and3A_328, %and3A_329 : vector<16xi1>
        %jit3A_331 = arith.constant 0 : i32
        %broadcast_in_dim3A_332 = vector.broadcast %jit3A_331 : i32 to vector<16xi32>
        %select_n3A_333 = arith.select %or3A_330, %get3A_312, %broadcast_in_dim3A_332 : vector<16xi1>, vector<16xi32>
        %mul3A_334 = arith.constant 16 : i32
        %mul3A_335 = arith.muli %scan3A_306, %mul3A_334 : i32
        %swap3A = arith.constant 4 : i32
        %swap3A_336 = arith.index_cast %swap3A : i32 to index
        %swap3A_337 = arith.index_cast %mul3A_335 : i32 to index
        %swap3A_338 = tpu.vector_load %arg6[%swap3A_336, %swap3A_337] {strides = array<i32>} : memref<8x2048xi32, #tpu.memory_space<vmem>>, vector<1x16xi32>,
        %swap3A_339 = vector.shape_cast %swap3A_338 : vector<1x16xi32> to vector<16xi32>
        %swap3A_340 = vector.shape_cast %select_n3A_333 : vector<16xi32> to vector<1x16xi32>
        tpu.vector_store %arg6[%swap3A_336, %swap3A_337], %swap3A_340 {strides = array<i32>} : memref<8x2048xi32, #tpu.memory_space<vmem>>, vector<1x16xi32>,
      }
      %scan3A_123 = arith.constant 128 : i32
      %scan3A_124 = arith.constant 0 : i32
      %scan3A_125 = arith.constant 0 : i32
      %scan3A_126 = arith.constant 128 : i32
      %scan3A_127 = arith.addi %scan3A_125, %scan3A_126 : i32
      %scan3A_128 = arith.constant 1 : i32
      scf.for %scan3A_306 = %scan3A_125 to %scan3A_127 step %scan3A_128  : i32 {
        %mul3A_307 = arith.constant 16 : i32
        %mul3A_308 = arith.muli %scan3A_306, %mul3A_307 : i32
        %get3A = arith.constant 5 : i32
        %get3A_309 = arith.index_cast %get3A : i32 to index
        %get3A_310 = arith.index_cast %mul3A_308 : i32 to index
        %get3A_311 = tpu.vector_load %arg4[%get3A_309, %get3A_310] {strides = array<i32>} : memref<8x2048xi32, #tpu.memory_space<vmem>>, vector<1x16xi32>,
        %get3A_312 = vector.shape_cast %get3A_311 : vector<1x16xi32> to vector<16xi32>
        %and3A_313 = arith.constant 2147483647 : i32
        %and3A_314 = vector.broadcast %and3A_313 : i32 to vector<16xi32>
        %and3A_315 = arith.andi %get3A_312, %and3A_314 : vector<16xi32>
        %add3A_316 = arith.addi %and3A_315, %and3A_12 : vector<16xi32>
        %add3A_317 = arith.addi %and3A_315, %and3A_17 : vector<16xi32>
        %broadcast_in_dim3A = vector.shape_cast %xor3A_4 : vector<16xi32> to vector<16x1xi32>
        %gather3A = vector.shape_cast %broadcast_in_dim3A : vector<16x1xi32> to vector<16xi32>
        %gather3A_318 = tpu.dynamic_gather %and3A_315[%gather3A] in [0] : vector<16xi32>, vector<16xi32> -> vector<16xi32>
        %broadcast_in_dim3A_319 = vector.shape_cast %xor3A_7 : vector<16xi32> to vector<16x1xi32>
        %gather3A_320 = vector.shape_cast %broadcast_in_dim3A_319 : vector<16x1xi32> to vector<16xi32>
        %gather3A_321 = tpu.dynamic_gather %and3A_315[%gather3A_320] in [0] : vector<16xi32>, vector<16xi32> -> vector<16xi32>
        %broadcast_in_dim3A_322 = vector.shape_cast %xor3A_10 : vector<16xi32> to vector<16x1xi32>
        %gather3A_323 = vector.shape_cast %broadcast_in_dim3A_322 : vector<16x1xi32> to vector<16xi32>
        %gather3A_324 = tpu.dynamic_gather %and3A_315[%gather3A_323] in [0] : vector<16xi32>, vector<16xi32> -> vector<16xi32>
        %lt3A_325 = arith.cmpi slt, %gather3A_318, %add3A_316 : vector<16xi32>
        %lt3A_326 = arith.cmpi slt, %gather3A_321, %add3A_317 : vector<16xi32>
        %lt3A_327 = arith.cmpi slt, %gather3A_324, %add3A_317 : vector<16xi32>
        %and3A_328 = arith.andi %lt3A_325, %lt3A_326 : vector<16xi1>
        %or3A = arith.ori %lt3A_325, %lt3A_326 : vector<16xi1>
        %and3A_329 = arith.andi %or3A, %lt3A_327 : vector<16xi1>
        %or3A_330 = arith.ori %and3A_328, %and3A_329 : vector<16xi1>
        %jit3A_331 = arith.constant 0 : i32
        %broadcast_in_dim3A_332 = vector.broadcast %jit3A_331 : i32 to vector<16xi32>
        %select_n3A_333 = arith.select %or3A_330, %get3A_312, %broadcast_in_dim3A_332 : vector<16xi1>, vector<16xi32>
        %mul3A_334 = arith.constant 16 : i32
        %mul3A_335 = arith.muli %scan3A_306, %mul3A_334 : i32
        %swap3A = arith.constant 5 : i32
        %swap3A_336 = arith.index_cast %swap3A : i32 to index
        %swap3A_337 = arith.index_cast %mul3A_335 : i32 to index
        %swap3A_338 = tpu.vector_load %arg6[%swap3A_336, %swap3A_337] {strides = array<i32>} : memref<8x2048xi32, #tpu.memory_space<vmem>>, vector<1x16xi32>,
        %swap3A_339 = vector.shape_cast %swap3A_338 : vector<1x16xi32> to vector<16xi32>
        %swap3A_340 = vector.shape_cast %select_n3A_333 : vector<16xi32> to vector<1x16xi32>
        tpu.vector_store %arg6[%swap3A_336, %swap3A_337], %swap3A_340 {strides = array<i32>} : memref<8x2048xi32, #tpu.memory_space<vmem>>, vector<1x16xi32>,
      }
      %scan3A_129 = arith.constant 128 : i32
      %scan3A_130 = arith.constant 0 : i32
      %scan3A_131 = arith.constant 0 : i32
      %scan3A_132 = arith.constant 128 : i32
      %scan3A_133 = arith.addi %scan3A_131, %scan3A_132 : i32
      %scan3A_134 = arith.constant 1 : i32
      scf.for %scan3A_306 = %scan3A_131 to %scan3A_133 step %scan3A_134  : i32 {
        %mul3A_307 = arith.constant 16 : i32
        %mul3A_308 = arith.muli %scan3A_306, %mul3A_307 : i32
        %get3A = arith.constant 6 : i32
        %get3A_309 = arith.index_cast %get3A : i32 to index
        %get3A_310 = arith.index_cast %mul3A_308 : i32 to index
        %get3A_311 = tpu.vector_load %arg4[%get3A_309, %get3A_310] {strides = array<i32>} : memref<8x2048xi32, #tpu.memory_space<vmem>>, vector<1x16xi32>,
        %get3A_312 = vector.shape_cast %get3A_311 : vector<1x16xi32> to vector<16xi32>
        %and3A_313 = arith.constant 2147483647 : i32
        %and3A_314 = vector.broadcast %and3A_313 : i32 to vector<16xi32>
        %and3A_315 = arith.andi %get3A_312, %and3A_314 : vector<16xi32>
        %add3A_316 = arith.addi %and3A_315, %and3A_12 : vector<16xi32>
        %add3A_317 = arith.addi %and3A_315, %and3A_17 : vector<16xi32>
        %broadcast_in_dim3A = vector.shape_cast %xor3A_4 : vector<16xi32> to vector<16x1xi32>
        %gather3A = vector.shape_cast %broadcast_in_dim3A : vector<16x1xi32> to vector<16xi32>
        %gather3A_318 = tpu.dynamic_gather %and3A_315[%gather3A] in [0] : vector<16xi32>, vector<16xi32> -> vector<16xi32>
        %broadcast_in_dim3A_319 = vector.shape_cast %xor3A_7 : vector<16xi32> to vector<16x1xi32>
        %gather3A_320 = vector.shape_cast %broadcast_in_dim3A_319 : vector<16x1xi32> to vector<16xi32>
        %gather3A_321 = tpu.dynamic_gather %and3A_315[%gather3A_320] in [0] : vector<16xi32>, vector<16xi32> -> vector<16xi32>
        %broadcast_in_dim3A_322 = vector.shape_cast %xor3A_10 : vector<16xi32> to vector<16x1xi32>
        %gather3A_323 = vector.shape_cast %broadcast_in_dim3A_322 : vector<16x1xi32> to vector<16xi32>
        %gather3A_324 = tpu.dynamic_gather %and3A_315[%gather3A_323] in [0] : vector<16xi32>, vector<16xi32> -> vector<16xi32>
        %lt3A_325 = arith.cmpi slt, %gather3A_318, %add3A_316 : vector<16xi32>
        %lt3A_326 = arith.cmpi slt, %gather3A_321, %add3A_317 : vector<16xi32>
        %lt3A_327 = arith.cmpi slt, %gather3A_324, %add3A_317 : vector<16xi32>
        %and3A_328 = arith.andi %lt3A_325, %lt3A_326 : vector<16xi1>
        %or3A = arith.ori %lt3A_325, %lt3A_326 : vector<16xi1>
        %and3A_329 = arith.andi %or3A, %lt3A_327 : vector<16xi1>
        %or3A_330 = arith.ori %and3A_328, %and3A_329 : vector<16xi1>
        %jit3A_331 = arith.constant 0 : i32
        %broadcast_in_dim3A_332 = vector.broadcast %jit3A_331 : i32 to vector<16xi32>
        %select_n3A_333 = arith.select %or3A_330, %get3A_312, %broadcast_in_dim3A_332 : vector<16xi1>, vector<16xi32>
        %mul3A_334 = arith.constant 16 : i32
        %mul3A_335 = arith.muli %scan3A_306, %mul3A_334 : i32
        %swap3A = arith.constant 6 : i32
        %swap3A_336 = arith.index_cast %swap3A : i32 to index
        %swap3A_337 = arith.index_cast %mul3A_335 : i32 to index
        %swap3A_338 = tpu.vector_load %arg6[%swap3A_336, %swap3A_337] {strides = array<i32>} : memref<8x2048xi32, #tpu.memory_space<vmem>>, vector<1x16xi32>,
        %swap3A_339 = vector.shape_cast %swap3A_338 : vector<1x16xi32> to vector<16xi32>
        %swap3A_340 = vector.shape_cast %select_n3A_333 : vector<16xi32> to vector<1x16xi32>
        tpu.vector_store %arg6[%swap3A_336, %swap3A_337], %swap3A_340 {strides = array<i32>} : memref<8x2048xi32, #tpu.memory_space<vmem>>, vector<1x16xi32>,
      }
      %scan3A_135 = arith.constant 128 : i32
      %scan3A_136 = arith.constant 0 : i32
      %scan3A_137 = arith.constant 0 : i32
      %scan3A_138 = arith.constant 128 : i32
      %scan3A_139 = arith.addi %scan3A_137, %scan3A_138 : i32
      %scan3A_140 = arith.constant 1 : i32
      scf.for %scan3A_306 = %scan3A_137 to %scan3A_139 step %scan3A_140  : i32 {
        %mul3A_307 = arith.constant 16 : i32
        %mul3A_308 = arith.muli %scan3A_306, %mul3A_307 : i32
        %get3A = arith.constant 7 : i32
        %get3A_309 = arith.index_cast %get3A : i32 to index
        %get3A_310 = arith.index_cast %mul3A_308 : i32 to index
        %get3A_311 = tpu.vector_load %arg4[%get3A_309, %get3A_310] {strides = array<i32>} : memref<8x2048xi32, #tpu.memory_space<vmem>>, vector<1x16xi32>,
        %get3A_312 = vector.shape_cast %get3A_311 : vector<1x16xi32> to vector<16xi32>
        %and3A_313 = arith.constant 2147483647 : i32
        %and3A_314 = vector.broadcast %and3A_313 : i32 to vector<16xi32>
        %and3A_315 = arith.andi %get3A_312, %and3A_314 : vector<16xi32>
        %add3A_316 = arith.addi %and3A_315, %and3A_12 : vector<16xi32>
        %add3A_317 = arith.addi %and3A_315, %and3A_17 : vector<16xi32>
        %broadcast_in_dim3A = vector.shape_cast %xor3A_4 : vector<16xi32> to vector<16x1xi32>
        %gather3A = vector.shape_cast %broadcast_in_dim3A : vector<16x1xi32> to vector<16xi32>
        %gather3A_318 = tpu.dynamic_gather %and3A_315[%gather3A] in [0] : vector<16xi32>, vector<16xi32> -> vector<16xi32>
        %broadcast_in_dim3A_319 = vector.shape_cast %xor3A_7 : vector<16xi32> to vector<16x1xi32>
        %gather3A_320 = vector.shape_cast %broadcast_in_dim3A_319 : vector<16x1xi32> to vector<16xi32>
        %gather3A_321 = tpu.dynamic_gather %and3A_315[%gather3A_320] in [0] : vector<16xi32>, vector<16xi32> -> vector<16xi32>
        %broadcast_in_dim3A_322 = vector.shape_cast %xor3A_10 : vector<16xi32> to vector<16x1xi32>
        %gather3A_323 = vector.shape_cast %broadcast_in_dim3A_322 : vector<16x1xi32> to vector<16xi32>
        %gather3A_324 = tpu.dynamic_gather %and3A_315[%gather3A_323] in [0] : vector<16xi32>, vector<16xi32> -> vector<16xi32>
        %lt3A_325 = arith.cmpi slt, %gather3A_318, %add3A_316 : vector<16xi32>
        %lt3A_326 = arith.cmpi slt, %gather3A_321, %add3A_317 : vector<16xi32>
        %lt3A_327 = arith.cmpi slt, %gather3A_324, %add3A_317 : vector<16xi32>
        %and3A_328 = arith.andi %lt3A_325, %lt3A_326 : vector<16xi1>
        %or3A = arith.ori %lt3A_325, %lt3A_326 : vector<16xi1>
        %and3A_329 = arith.andi %or3A, %lt3A_327 : vector<16xi1>
        %or3A_330 = arith.ori %and3A_328, %and3A_329 : vector<16xi1>
        %jit3A_331 = arith.constant 0 : i32
        %broadcast_in_dim3A_332 = vector.broadcast %jit3A_331 : i32 to vector<16xi32>
        %select_n3A_333 = arith.select %or3A_330, %get3A_312, %broadcast_in_dim3A_332 : vector<16xi1>, vector<16xi32>
        %mul3A_334 = arith.constant 16 : i32
        %mul3A_335 = arith.muli %scan3A_306, %mul3A_334 : i32
        %swap3A = arith.constant 7 : i32
        %swap3A_336 = arith.index_cast %swap3A : i32 to index
        %swap3A_337 = arith.index_cast %mul3A_335 : i32 to index
        %swap3A_338 = tpu.vector_load %arg6[%swap3A_336, %swap3A_337] {strides = array<i32>} : memref<8x2048xi32, #tpu.memory_space<vmem>>, vector<1x16xi32>,
        %swap3A_339 = vector.shape_cast %swap3A_338 : vector<1x16xi32> to vector<16xi32>
        %swap3A_340 = vector.shape_cast %select_n3A_333 : vector<16xi32> to vector<1x16xi32>
        tpu.vector_store %arg6[%swap3A_336, %swap3A_337], %swap3A_340 {strides = array<i32>} : memref<8x2048xi32, #tpu.memory_space<vmem>>, vector<1x16xi32>,
      }
      %scan3A_141 = arith.constant 128 : i32
      %jit3A_142 = arith.constant 4 : i32
      %div3A_143 = arith.divsi %mul3A_43, %jit3A_142 : i32
      %sign3A_144 = arith.constant 0 : i32
      %sign3A_145 = arith.cmpi sgt, %mul3A_43, %sign3A_144 : i32
      %sign3A_146 = arith.extui %sign3A_145 : i1 to i32
      %sign3A_147 = arith.constant 0 : i32
      %sign3A_148 = arith.cmpi slt, %mul3A_43, %sign3A_147 : i32
      %sign3A_149 = arith.extui %sign3A_148 : i1 to i32
      %sign3A_150 = arith.subi %sign3A_146, %sign3A_149 : i32
      %sign3A_151 = arith.constant 0 : i32
      %sign3A_152 = arith.cmpi sgt, %jit3A_142, %sign3A_151 : i32
      %sign3A_153 = arith.extui %sign3A_152 : i1 to i32
      %sign3A_154 = arith.constant 0 : i32
      %sign3A_155 = arith.cmpi slt, %jit3A_142, %sign3A_154 : i32
      %sign3A_156 = arith.extui %sign3A_155 : i1 to i32
      %sign3A_157 = arith.subi %sign3A_153, %sign3A_156 : i32
      %ne3A_158 = arith.cmpi ne, %sign3A_150, %sign3A_157 : i32
      %rem3A_159 = arith.remsi %mul3A_43, %jit3A_142 : i32
      %ne3A_160 = arith.constant 0 : i32
      %ne3A_161 = arith.cmpi ne, %rem3A_159, %ne3A_160 : i32
      %and3A_162 = arith.andi %ne3A_158, %ne3A_161 : i1
      %sub3A_163 = arith.constant 1 : i32
      %sub3A_164 = arith.subi %div3A_143, %sub3A_163 : i32
      %select_n3A_165 = arith.select %and3A_162, %sub3A_164, %div3A_143 : i32
      %mul3A_166 = arith.constant 8 : i32
      %mul3A_167 = arith.muli %select_n3A_165, %mul3A_166 : i32
      %add3A_168 = arith.addi %mul3A_2, %mul3A_167 : i32
      %jit3A_169 = arith.constant 4 : i32
      %eq3A_170 = arith.constant 0 : i32
      %eq3A_171 = arith.cmpi eq, %jit3A_169, %eq3A_170 : i32
      %jit3A_172 = arith.constant 1 : i32
      %select_n3A_173 = arith.select %eq3A_171, %jit3A_172, %jit3A_169 : i32
      %rem3A_174 = arith.remsi %mul3A_43, %select_n3A_173 : i32
      %ne3A_175 = arith.constant 0 : i32
      %ne3A_176 = arith.cmpi ne, %rem3A_174, %ne3A_175 : i32
      %lt3A_177 = arith.constant 0 : i32
      %lt3A_178 = arith.cmpi slt, %rem3A_174, %lt3A_177 : i32
      %lt3A_179 = arith.constant 0 : i32
      %lt3A_180 = arith.cmpi slt, %select_n3A_173, %lt3A_179 : i32
      %ne3A_181 = arith.xori %lt3A_178, %lt3A_180 : i1
      %and3A_182 = arith.andi %ne3A_181, %ne3A_176 : i1
      %add3A_183 = arith.addi %rem3A_174, %select_n3A_173 : i32
      %select_n3A_184 = arith.select %and3A_182, %add3A_183, %rem3A_174 : i32
      %mul3A_185 = arith.constant 2048 : i32
      %mul3A_186 = arith.muli %select_n3A_184, %mul3A_185 : i32
      %dma_start3A_187 = tpu.memref_bitcast %arg3 : memref<2048x8192xf32, #tpu.memory_space<hbm>> -> memref<2048x8192xi32, #tpu.memory_space<hbm>>
      %dma_start3A_188 = tpu.memref_slice %dma_start3A_187[%add3A_168, %mul3A_186] : memref<2048x8192xi32, #tpu.memory_space<hbm>> -> memref<8x2048xi32, #tpu.memory_space<hbm>>
      %dma_start3A_189 = tpu.memref_bitcast %arg3 : memref<2048x8192xf32, #tpu.memory_space<hbm>> -> memref<2048x8192xi32, #tpu.memory_space<hbm>>
      %dma_start3A_190 = tpu.memref_slice %dma_start3A_189[%add3A_168, %mul3A_186] : memref<2048x8192xi32, #tpu.memory_space<hbm>> -> memref<8x2048xi32, #tpu.memory_space<hbm>>
      tpu.enqueue_dma source(%arg6 : memref<8x2048xi32, #tpu.memory_space<vmem>>) target(%dma_start3A_190 : memref<8x2048xi32, #tpu.memory_space<hbm>>) target_semaphore(%arg10 : memref<!tpu.dma_semaphore, #tpu.memory_space<semaphore_mem>>)
      %lt3A_191 = arith.constant 15 : i32
      %lt3A_192 = arith.cmpi slt, %scan3A_41, %lt3A_191 : i32
      %convert_element_type3A_193 = arith.extui %lt3A_192 : i1 to i32
      %cond3A_194 = arith.constant 0 : i32
      %cond3A_195 = arith.cmpi ne, %convert_element_type3A_193, %cond3A_194 : i32
      scf.if %cond3A_195 {
        %add3A_306 = arith.constant 2 : i32
        %add3A_307 = arith.addi %mul3A_43, %add3A_306 : i32
        %jit3A_308 = arith.constant 4 : i32
        %div3A_309 = arith.divsi %add3A_307, %jit3A_308 : i32
        %sign3A_310 = arith.constant 0 : i32
        %sign3A_311 = arith.cmpi sgt, %add3A_307, %sign3A_310 : i32
        %sign3A_312 = arith.extui %sign3A_311 : i1 to i32
        %sign3A_313 = arith.constant 0 : i32
        %sign3A_314 = arith.cmpi slt, %add3A_307, %sign3A_313 : i32
        %sign3A_315 = arith.extui %sign3A_314 : i1 to i32
        %sign3A_316 = arith.subi %sign3A_312, %sign3A_315 : i32
        %sign3A_317 = arith.constant 0 : i32
        %sign3A_318 = arith.cmpi sgt, %jit3A_308, %sign3A_317 : i32
        %sign3A_319 = arith.extui %sign3A_318 : i1 to i32
        %sign3A_320 = arith.constant 0 : i32
        %sign3A_321 = arith.cmpi slt, %jit3A_308, %sign3A_320 : i32
        %sign3A_322 = arith.extui %sign3A_321 : i1 to i32
        %sign3A_323 = arith.subi %sign3A_319, %sign3A_322 : i32
        %ne3A_324 = arith.cmpi ne, %sign3A_316, %sign3A_323 : i32
        %rem3A_325 = arith.remsi %add3A_307, %jit3A_308 : i32
        %ne3A_326 = arith.constant 0 : i32
        %ne3A_327 = arith.cmpi ne, %rem3A_325, %ne3A_326 : i32
        %and3A_328 = arith.andi %ne3A_324, %ne3A_327 : i1
        %sub3A_329 = arith.constant 1 : i32
        %sub3A_330 = arith.subi %div3A_309, %sub3A_329 : i32
        %select_n3A_331 = arith.select %and3A_328, %sub3A_330, %div3A_309 : i32
        %mul3A_332 = arith.constant 8 : i32
        %mul3A_333 = arith.muli %select_n3A_331, %mul3A_332 : i32
        %add3A_334 = arith.addi %mul3A_2, %mul3A_333 : i32
        %jit3A_335 = arith.constant 4 : i32
        %eq3A_336 = arith.constant 0 : i32
        %eq3A_337 = arith.cmpi eq, %jit3A_335, %eq3A_336 : i32
        %jit3A_338 = arith.constant 1 : i32
        %select_n3A_339 = arith.select %eq3A_337, %jit3A_338, %jit3A_335 : i32
        %rem3A_340 = arith.remsi %add3A_307, %select_n3A_339 : i32
        %ne3A_341 = arith.constant 0 : i32
        %ne3A_342 = arith.cmpi ne, %rem3A_340, %ne3A_341 : i32
        %lt3A_343 = arith.constant 0 : i32
        %lt3A_344 = arith.cmpi slt, %rem3A_340, %lt3A_343 : i32
        %lt3A_345 = arith.constant 0 : i32
        %lt3A_346 = arith.cmpi slt, %select_n3A_339, %lt3A_345 : i32
        %ne3A_347 = arith.xori %lt3A_344, %lt3A_346 : i1
        %and3A_348 = arith.andi %ne3A_347, %ne3A_342 : i1
        %add3A_349 = arith.addi %rem3A_340, %select_n3A_339 : i32
        %select_n3A_350 = arith.select %and3A_348, %add3A_349, %rem3A_340 : i32
        %mul3A_351 = arith.constant 2048 : i32
        %mul3A_352 = arith.muli %select_n3A_350, %mul3A_351 : i32
        %dma_start3A_353 = tpu.memref_bitcast %arg2 : memref<2048x8192xf32, #tpu.memory_space<hbm>> -> memref<2048x8192xi32, #tpu.memory_space<hbm>>
        %dma_start3A_354 = tpu.memref_slice %dma_start3A_353[%add3A_334, %mul3A_352] : memref<2048x8192xi32, #tpu.memory_space<hbm>> -> memref<8x2048xi32, #tpu.memory_space<hbm>>
        %dma_start3A_355 = tpu.memref_bitcast %arg2 : memref<2048x8192xf32, #tpu.memory_space<hbm>> -> memref<2048x8192xi32, #tpu.memory_space<hbm>>
        %dma_start3A_356 = tpu.memref_slice %dma_start3A_355[%add3A_334, %mul3A_352] : memref<2048x8192xi32, #tpu.memory_space<hbm>> -> memref<8x2048xi32, #tpu.memory_space<hbm>>
        tpu.enqueue_dma source(%dma_start3A_356 : memref<8x2048xi32, #tpu.memory_space<hbm>>) target(%arg4 : memref<8x2048xi32, #tpu.memory_space<vmem>>) target_semaphore(%arg8 : memref<!tpu.dma_semaphore, #tpu.memory_space<semaphore_mem>>)
      } else {
      }
      %dma_wait3A_196 = tpu.memref_bitcast %arg2 : memref<2048x8192xf32, #tpu.memory_space<hbm>> -> memref<2048x8192xi32, #tpu.memory_space<hbm>>
      %dma_wait3A_197 = arith.constant 0 : i32
      %dma_wait3A_198 = tpu.memref_slice %dma_wait3A_196[%mul3A_2, %dma_wait3A_197] : memref<2048x8192xi32, #tpu.memory_space<hbm>> -> memref<8x2048xi32, #tpu.memory_space<hbm>>
      %dma_wait3A_199 = tpu.memref_bitcast %arg2 : memref<2048x8192xf32, #tpu.memory_space<hbm>> -> memref<2048x8192xi32, #tpu.memory_space<hbm>>
      %dma_wait3A_200 = arith.constant 0 : i32
      %dma_wait3A_201 = tpu.memref_slice %dma_wait3A_199[%mul3A_2, %dma_wait3A_200] : memref<2048x8192xi32, #tpu.memory_space<hbm>> -> memref<8x2048xi32, #tpu.memory_space<hbm>>
      tpu.wait_dma2 semaphore(%arg9 : memref<!tpu.dma_semaphore, #tpu.memory_space<semaphore_mem>>) src(%dma_wait3A_201 : memref<8x2048xi32, #tpu.memory_space<hbm>>) dst(%arg5 : memref<8x2048xi32, #tpu.memory_space<vmem>>)
      %gt3A_202 = arith.constant 0 : i32
      %gt3A_203 = arith.cmpi sgt, %scan3A_41, %gt3A_202 : i32
      %convert_element_type3A_204 = arith.extui %gt3A_203 : i1 to i32
      %cond3A_205 = arith.constant 0 : i32
      %cond3A_206 = arith.cmpi ne, %convert_element_type3A_204, %cond3A_205 : i32
      scf.if %cond3A_206 {
        %dma_wait3A_306 = tpu.memref_bitcast %arg3 : memref<2048x8192xf32, #tpu.memory_space<hbm>> -> memref<2048x8192xi32, #tpu.memory_space<hbm>>
        %dma_wait3A_307 = arith.constant 0 : i32
        %dma_wait3A_308 = tpu.memref_slice %dma_wait3A_306[%mul3A_2, %dma_wait3A_307] : memref<2048x8192xi32, #tpu.memory_space<hbm>> -> memref<8x2048xi32, #tpu.memory_space<hbm>>
        %dma_wait3A_309 = tpu.memref_bitcast %arg3 : memref<2048x8192xf32, #tpu.memory_space<hbm>> -> memref<2048x8192xi32, #tpu.memory_space<hbm>>
        %dma_wait3A_310 = arith.constant 0 : i32
        %dma_wait3A_311 = tpu.memref_slice %dma_wait3A_309[%mul3A_2, %dma_wait3A_310] : memref<2048x8192xi32, #tpu.memory_space<hbm>> -> memref<8x2048xi32, #tpu.memory_space<hbm>>
        tpu.wait_dma2 semaphore(%arg11 : memref<!tpu.dma_semaphore, #tpu.memory_space<semaphore_mem>>) src(%arg7 : memref<8x2048xi32, #tpu.memory_space<vmem>>) dst(%dma_wait3A_311 : memref<8x2048xi32, #tpu.memory_space<hbm>>)
      } else {
      }
      %scan3A_207 = arith.constant 0 : i32
      %scan3A_208 = arith.constant 0 : i32
      %scan3A_209 = arith.constant 128 : i32
      %scan3A_210 = arith.addi %scan3A_208, %scan3A_209 : i32
      %scan3A_211 = arith.constant 1 : i32
      scf.for %scan3A_306 = %scan3A_208 to %scan3A_210 step %scan3A_211  : i32 {
        %mul3A_307 = arith.constant 16 : i32
        %mul3A_308 = arith.muli %scan3A_306, %mul3A_307 : i32
        %get3A = arith.constant 0 : i32
        %get3A_309 = arith.index_cast %get3A : i32 to index
        %get3A_310 = arith.index_cast %mul3A_308 : i32 to index
        %get3A_311 = tpu.vector_load %arg5[%get3A_309, %get3A_310] {strides = array<i32>} : memref<8x2048xi32, #tpu.memory_space<vmem>>, vector<1x16xi32>,
        %get3A_312 = vector.shape_cast %get3A_311 : vector<1x16xi32> to vector<16xi32>
        %and3A_313 = arith.constant 2147483647 : i32
        %and3A_314 = vector.broadcast %and3A_313 : i32 to vector<16xi32>
        %and3A_315 = arith.andi %get3A_312, %and3A_314 : vector<16xi32>
        %add3A_316 = arith.addi %and3A_315, %and3A_12 : vector<16xi32>
        %add3A_317 = arith.addi %and3A_315, %and3A_17 : vector<16xi32>
        %broadcast_in_dim3A = vector.shape_cast %xor3A_4 : vector<16xi32> to vector<16x1xi32>
        %gather3A = vector.shape_cast %broadcast_in_dim3A : vector<16x1xi32> to vector<16xi32>
        %gather3A_318 = tpu.dynamic_gather %and3A_315[%gather3A] in [0] : vector<16xi32>, vector<16xi32> -> vector<16xi32>
        %broadcast_in_dim3A_319 = vector.shape_cast %xor3A_7 : vector<16xi32> to vector<16x1xi32>
        %gather3A_320 = vector.shape_cast %broadcast_in_dim3A_319 : vector<16x1xi32> to vector<16xi32>
        %gather3A_321 = tpu.dynamic_gather %and3A_315[%gather3A_320] in [0] : vector<16xi32>, vector<16xi32> -> vector<16xi32>
        %broadcast_in_dim3A_322 = vector.shape_cast %xor3A_10 : vector<16xi32> to vector<16x1xi32>
        %gather3A_323 = vector.shape_cast %broadcast_in_dim3A_322 : vector<16x1xi32> to vector<16xi32>
        %gather3A_324 = tpu.dynamic_gather %and3A_315[%gather3A_323] in [0] : vector<16xi32>, vector<16xi32> -> vector<16xi32>
        %lt3A_325 = arith.cmpi slt, %gather3A_318, %add3A_316 : vector<16xi32>
        %lt3A_326 = arith.cmpi slt, %gather3A_321, %add3A_317 : vector<16xi32>
        %lt3A_327 = arith.cmpi slt, %gather3A_324, %add3A_317 : vector<16xi32>
        %and3A_328 = arith.andi %lt3A_325, %lt3A_326 : vector<16xi1>
        %or3A = arith.ori %lt3A_325, %lt3A_326 : vector<16xi1>
        %and3A_329 = arith.andi %or3A, %lt3A_327 : vector<16xi1>
        %or3A_330 = arith.ori %and3A_328, %and3A_329 : vector<16xi1>
        %jit3A_331 = arith.constant 0 : i32
        %broadcast_in_dim3A_332 = vector.broadcast %jit3A_331 : i32 to vector<16xi32>
        %select_n3A_333 = arith.select %or3A_330, %get3A_312, %broadcast_in_dim3A_332 : vector<16xi1>, vector<16xi32>
        %mul3A_334 = arith.constant 16 : i32
        %mul3A_335 = arith.muli %scan3A_306, %mul3A_334 : i32
        %swap3A = arith.constant 0 : i32
        %swap3A_336 = arith.index_cast %swap3A : i32 to index
        %swap3A_337 = arith.index_cast %mul3A_335 : i32 to index
        %swap3A_338 = tpu.vector_load %arg7[%swap3A_336, %swap3A_337] {strides = array<i32>} : memref<8x2048xi32, #tpu.memory_space<vmem>>, vector<1x16xi32>,
        %swap3A_339 = vector.shape_cast %swap3A_338 : vector<1x16xi32> to vector<16xi32>
        %swap3A_340 = vector.shape_cast %select_n3A_333 : vector<16xi32> to vector<1x16xi32>
        tpu.vector_store %arg7[%swap3A_336, %swap3A_337], %swap3A_340 {strides = array<i32>} : memref<8x2048xi32, #tpu.memory_space<vmem>>, vector<1x16xi32>,
      }
      %scan3A_212 = arith.constant 128 : i32
      %scan3A_213 = arith.constant 0 : i32
      %scan3A_214 = arith.constant 0 : i32
      %scan3A_215 = arith.constant 128 : i32
      %scan3A_216 = arith.addi %scan3A_214, %scan3A_215 : i32
      %scan3A_217 = arith.constant 1 : i32
      scf.for %scan3A_306 = %scan3A_214 to %scan3A_216 step %scan3A_217  : i32 {
        %mul3A_307 = arith.constant 16 : i32
        %mul3A_308 = arith.muli %scan3A_306, %mul3A_307 : i32
        %get3A = arith.constant 1 : i32
        %get3A_309 = arith.index_cast %get3A : i32 to index
        %get3A_310 = arith.index_cast %mul3A_308 : i32 to index
        %get3A_311 = tpu.vector_load %arg5[%get3A_309, %get3A_310] {strides = array<i32>} : memref<8x2048xi32, #tpu.memory_space<vmem>>, vector<1x16xi32>,
        %get3A_312 = vector.shape_cast %get3A_311 : vector<1x16xi32> to vector<16xi32>
        %and3A_313 = arith.constant 2147483647 : i32
        %and3A_314 = vector.broadcast %and3A_313 : i32 to vector<16xi32>
        %and3A_315 = arith.andi %get3A_312, %and3A_314 : vector<16xi32>
        %add3A_316 = arith.addi %and3A_315, %and3A_12 : vector<16xi32>
        %add3A_317 = arith.addi %and3A_315, %and3A_17 : vector<16xi32>
        %broadcast_in_dim3A = vector.shape_cast %xor3A_4 : vector<16xi32> to vector<16x1xi32>
        %gather3A = vector.shape_cast %broadcast_in_dim3A : vector<16x1xi32> to vector<16xi32>
        %gather3A_318 = tpu.dynamic_gather %and3A_315[%gather3A] in [0] : vector<16xi32>, vector<16xi32> -> vector<16xi32>
        %broadcast_in_dim3A_319 = vector.shape_cast %xor3A_7 : vector<16xi32> to vector<16x1xi32>
        %gather3A_320 = vector.shape_cast %broadcast_in_dim3A_319 : vector<16x1xi32> to vector<16xi32>
        %gather3A_321 = tpu.dynamic_gather %and3A_315[%gather3A_320] in [0] : vector<16xi32>, vector<16xi32> -> vector<16xi32>
        %broadcast_in_dim3A_322 = vector.shape_cast %xor3A_10 : vector<16xi32> to vector<16x1xi32>
        %gather3A_323 = vector.shape_cast %broadcast_in_dim3A_322 : vector<16x1xi32> to vector<16xi32>
        %gather3A_324 = tpu.dynamic_gather %and3A_315[%gather3A_323] in [0] : vector<16xi32>, vector<16xi32> -> vector<16xi32>
        %lt3A_325 = arith.cmpi slt, %gather3A_318, %add3A_316 : vector<16xi32>
        %lt3A_326 = arith.cmpi slt, %gather3A_321, %add3A_317 : vector<16xi32>
        %lt3A_327 = arith.cmpi slt, %gather3A_324, %add3A_317 : vector<16xi32>
        %and3A_328 = arith.andi %lt3A_325, %lt3A_326 : vector<16xi1>
        %or3A = arith.ori %lt3A_325, %lt3A_326 : vector<16xi1>
        %and3A_329 = arith.andi %or3A, %lt3A_327 : vector<16xi1>
        %or3A_330 = arith.ori %and3A_328, %and3A_329 : vector<16xi1>
        %jit3A_331 = arith.constant 0 : i32
        %broadcast_in_dim3A_332 = vector.broadcast %jit3A_331 : i32 to vector<16xi32>
        %select_n3A_333 = arith.select %or3A_330, %get3A_312, %broadcast_in_dim3A_332 : vector<16xi1>, vector<16xi32>
        %mul3A_334 = arith.constant 16 : i32
        %mul3A_335 = arith.muli %scan3A_306, %mul3A_334 : i32
        %swap3A = arith.constant 1 : i32
        %swap3A_336 = arith.index_cast %swap3A : i32 to index
        %swap3A_337 = arith.index_cast %mul3A_335 : i32 to index
        %swap3A_338 = tpu.vector_load %arg7[%swap3A_336, %swap3A_337] {strides = array<i32>} : memref<8x2048xi32, #tpu.memory_space<vmem>>, vector<1x16xi32>,
        %swap3A_339 = vector.shape_cast %swap3A_338 : vector<1x16xi32> to vector<16xi32>
        %swap3A_340 = vector.shape_cast %select_n3A_333 : vector<16xi32> to vector<1x16xi32>
        tpu.vector_store %arg7[%swap3A_336, %swap3A_337], %swap3A_340 {strides = array<i32>} : memref<8x2048xi32, #tpu.memory_space<vmem>>, vector<1x16xi32>,
      }
      %scan3A_218 = arith.constant 128 : i32
      %scan3A_219 = arith.constant 0 : i32
      %scan3A_220 = arith.constant 0 : i32
      %scan3A_221 = arith.constant 128 : i32
      %scan3A_222 = arith.addi %scan3A_220, %scan3A_221 : i32
      %scan3A_223 = arith.constant 1 : i32
      scf.for %scan3A_306 = %scan3A_220 to %scan3A_222 step %scan3A_223  : i32 {
        %mul3A_307 = arith.constant 16 : i32
        %mul3A_308 = arith.muli %scan3A_306, %mul3A_307 : i32
        %get3A = arith.constant 2 : i32
        %get3A_309 = arith.index_cast %get3A : i32 to index
        %get3A_310 = arith.index_cast %mul3A_308 : i32 to index
        %get3A_311 = tpu.vector_load %arg5[%get3A_309, %get3A_310] {strides = array<i32>} : memref<8x2048xi32, #tpu.memory_space<vmem>>, vector<1x16xi32>,
        %get3A_312 = vector.shape_cast %get3A_311 : vector<1x16xi32> to vector<16xi32>
        %and3A_313 = arith.constant 2147483647 : i32
        %and3A_314 = vector.broadcast %and3A_313 : i32 to vector<16xi32>
        %and3A_315 = arith.andi %get3A_312, %and3A_314 : vector<16xi32>
        %add3A_316 = arith.addi %and3A_315, %and3A_12 : vector<16xi32>
        %add3A_317 = arith.addi %and3A_315, %and3A_17 : vector<16xi32>
        %broadcast_in_dim3A = vector.shape_cast %xor3A_4 : vector<16xi32> to vector<16x1xi32>
        %gather3A = vector.shape_cast %broadcast_in_dim3A : vector<16x1xi32> to vector<16xi32>
        %gather3A_318 = tpu.dynamic_gather %and3A_315[%gather3A] in [0] : vector<16xi32>, vector<16xi32> -> vector<16xi32>
        %broadcast_in_dim3A_319 = vector.shape_cast %xor3A_7 : vector<16xi32> to vector<16x1xi32>
        %gather3A_320 = vector.shape_cast %broadcast_in_dim3A_319 : vector<16x1xi32> to vector<16xi32>
        %gather3A_321 = tpu.dynamic_gather %and3A_315[%gather3A_320] in [0] : vector<16xi32>, vector<16xi32> -> vector<16xi32>
        %broadcast_in_dim3A_322 = vector.shape_cast %xor3A_10 : vector<16xi32> to vector<16x1xi32>
        %gather3A_323 = vector.shape_cast %broadcast_in_dim3A_322 : vector<16x1xi32> to vector<16xi32>
        %gather3A_324 = tpu.dynamic_gather %and3A_315[%gather3A_323] in [0] : vector<16xi32>, vector<16xi32> -> vector<16xi32>
        %lt3A_325 = arith.cmpi slt, %gather3A_318, %add3A_316 : vector<16xi32>
        %lt3A_326 = arith.cmpi slt, %gather3A_321, %add3A_317 : vector<16xi32>
        %lt3A_327 = arith.cmpi slt, %gather3A_324, %add3A_317 : vector<16xi32>
        %and3A_328 = arith.andi %lt3A_325, %lt3A_326 : vector<16xi1>
        %or3A = arith.ori %lt3A_325, %lt3A_326 : vector<16xi1>
        %and3A_329 = arith.andi %or3A, %lt3A_327 : vector<16xi1>
        %or3A_330 = arith.ori %and3A_328, %and3A_329 : vector<16xi1>
        %jit3A_331 = arith.constant 0 : i32
        %broadcast_in_dim3A_332 = vector.broadcast %jit3A_331 : i32 to vector<16xi32>
        %select_n3A_333 = arith.select %or3A_330, %get3A_312, %broadcast_in_dim3A_332 : vector<16xi1>, vector<16xi32>
        %mul3A_334 = arith.constant 16 : i32
        %mul3A_335 = arith.muli %scan3A_306, %mul3A_334 : i32
        %swap3A = arith.constant 2 : i32
        %swap3A_336 = arith.index_cast %swap3A : i32 to index
        %swap3A_337 = arith.index_cast %mul3A_335 : i32 to index
        %swap3A_338 = tpu.vector_load %arg7[%swap3A_336, %swap3A_337] {strides = array<i32>} : memref<8x2048xi32, #tpu.memory_space<vmem>>, vector<1x16xi32>,
        %swap3A_339 = vector.shape_cast %swap3A_338 : vector<1x16xi32> to vector<16xi32>
        %swap3A_340 = vector.shape_cast %select_n3A_333 : vector<16xi32> to vector<1x16xi32>
        tpu.vector_store %arg7[%swap3A_336, %swap3A_337], %swap3A_340 {strides = array<i32>} : memref<8x2048xi32, #tpu.memory_space<vmem>>, vector<1x16xi32>,
      }
      %scan3A_224 = arith.constant 128 : i32
      %scan3A_225 = arith.constant 0 : i32
      %scan3A_226 = arith.constant 0 : i32
      %scan3A_227 = arith.constant 128 : i32
      %scan3A_228 = arith.addi %scan3A_226, %scan3A_227 : i32
      %scan3A_229 = arith.constant 1 : i32
      scf.for %scan3A_306 = %scan3A_226 to %scan3A_228 step %scan3A_229  : i32 {
        %mul3A_307 = arith.constant 16 : i32
        %mul3A_308 = arith.muli %scan3A_306, %mul3A_307 : i32
        %get3A = arith.constant 3 : i32
        %get3A_309 = arith.index_cast %get3A : i32 to index
        %get3A_310 = arith.index_cast %mul3A_308 : i32 to index
        %get3A_311 = tpu.vector_load %arg5[%get3A_309, %get3A_310] {strides = array<i32>} : memref<8x2048xi32, #tpu.memory_space<vmem>>, vector<1x16xi32>,
        %get3A_312 = vector.shape_cast %get3A_311 : vector<1x16xi32> to vector<16xi32>
        %and3A_313 = arith.constant 2147483647 : i32
        %and3A_314 = vector.broadcast %and3A_313 : i32 to vector<16xi32>
        %and3A_315 = arith.andi %get3A_312, %and3A_314 : vector<16xi32>
        %add3A_316 = arith.addi %and3A_315, %and3A_12 : vector<16xi32>
        %add3A_317 = arith.addi %and3A_315, %and3A_17 : vector<16xi32>
        %broadcast_in_dim3A = vector.shape_cast %xor3A_4 : vector<16xi32> to vector<16x1xi32>
        %gather3A = vector.shape_cast %broadcast_in_dim3A : vector<16x1xi32> to vector<16xi32>
        %gather3A_318 = tpu.dynamic_gather %and3A_315[%gather3A] in [0] : vector<16xi32>, vector<16xi32> -> vector<16xi32>
        %broadcast_in_dim3A_319 = vector.shape_cast %xor3A_7 : vector<16xi32> to vector<16x1xi32>
        %gather3A_320 = vector.shape_cast %broadcast_in_dim3A_319 : vector<16x1xi32> to vector<16xi32>
        %gather3A_321 = tpu.dynamic_gather %and3A_315[%gather3A_320] in [0] : vector<16xi32>, vector<16xi32> -> vector<16xi32>
        %broadcast_in_dim3A_322 = vector.shape_cast %xor3A_10 : vector<16xi32> to vector<16x1xi32>
        %gather3A_323 = vector.shape_cast %broadcast_in_dim3A_322 : vector<16x1xi32> to vector<16xi32>
        %gather3A_324 = tpu.dynamic_gather %and3A_315[%gather3A_323] in [0] : vector<16xi32>, vector<16xi32> -> vector<16xi32>
        %lt3A_325 = arith.cmpi slt, %gather3A_318, %add3A_316 : vector<16xi32>
        %lt3A_326 = arith.cmpi slt, %gather3A_321, %add3A_317 : vector<16xi32>
        %lt3A_327 = arith.cmpi slt, %gather3A_324, %add3A_317 : vector<16xi32>
        %and3A_328 = arith.andi %lt3A_325, %lt3A_326 : vector<16xi1>
        %or3A = arith.ori %lt3A_325, %lt3A_326 : vector<16xi1>
        %and3A_329 = arith.andi %or3A, %lt3A_327 : vector<16xi1>
        %or3A_330 = arith.ori %and3A_328, %and3A_329 : vector<16xi1>
        %jit3A_331 = arith.constant 0 : i32
        %broadcast_in_dim3A_332 = vector.broadcast %jit3A_331 : i32 to vector<16xi32>
        %select_n3A_333 = arith.select %or3A_330, %get3A_312, %broadcast_in_dim3A_332 : vector<16xi1>, vector<16xi32>
        %mul3A_334 = arith.constant 16 : i32
        %mul3A_335 = arith.muli %scan3A_306, %mul3A_334 : i32
        %swap3A = arith.constant 3 : i32
        %swap3A_336 = arith.index_cast %swap3A : i32 to index
        %swap3A_337 = arith.index_cast %mul3A_335 : i32 to index
        %swap3A_338 = tpu.vector_load %arg7[%swap3A_336, %swap3A_337] {strides = array<i32>} : memref<8x2048xi32, #tpu.memory_space<vmem>>, vector<1x16xi32>,
        %swap3A_339 = vector.shape_cast %swap3A_338 : vector<1x16xi32> to vector<16xi32>
        %swap3A_340 = vector.shape_cast %select_n3A_333 : vector<16xi32> to vector<1x16xi32>
        tpu.vector_store %arg7[%swap3A_336, %swap3A_337], %swap3A_340 {strides = array<i32>} : memref<8x2048xi32, #tpu.memory_space<vmem>>, vector<1x16xi32>,
      }
      %scan3A_230 = arith.constant 128 : i32
      %scan3A_231 = arith.constant 0 : i32
      %scan3A_232 = arith.constant 0 : i32
      %scan3A_233 = arith.constant 128 : i32
      %scan3A_234 = arith.addi %scan3A_232, %scan3A_233 : i32
      %scan3A_235 = arith.constant 1 : i32
      scf.for %scan3A_306 = %scan3A_232 to %scan3A_234 step %scan3A_235  : i32 {
        %mul3A_307 = arith.constant 16 : i32
        %mul3A_308 = arith.muli %scan3A_306, %mul3A_307 : i32
        %get3A = arith.constant 4 : i32
        %get3A_309 = arith.index_cast %get3A : i32 to index
        %get3A_310 = arith.index_cast %mul3A_308 : i32 to index
        %get3A_311 = tpu.vector_load %arg5[%get3A_309, %get3A_310] {strides = array<i32>} : memref<8x2048xi32, #tpu.memory_space<vmem>>, vector<1x16xi32>,
        %get3A_312 = vector.shape_cast %get3A_311 : vector<1x16xi32> to vector<16xi32>
        %and3A_313 = arith.constant 2147483647 : i32
        %and3A_314 = vector.broadcast %and3A_313 : i32 to vector<16xi32>
        %and3A_315 = arith.andi %get3A_312, %and3A_314 : vector<16xi32>
        %add3A_316 = arith.addi %and3A_315, %and3A_12 : vector<16xi32>
        %add3A_317 = arith.addi %and3A_315, %and3A_17 : vector<16xi32>
        %broadcast_in_dim3A = vector.shape_cast %xor3A_4 : vector<16xi32> to vector<16x1xi32>
        %gather3A = vector.shape_cast %broadcast_in_dim3A : vector<16x1xi32> to vector<16xi32>
        %gather3A_318 = tpu.dynamic_gather %and3A_315[%gather3A] in [0] : vector<16xi32>, vector<16xi32> -> vector<16xi32>
        %broadcast_in_dim3A_319 = vector.shape_cast %xor3A_7 : vector<16xi32> to vector<16x1xi32>
        %gather3A_320 = vector.shape_cast %broadcast_in_dim3A_319 : vector<16x1xi32> to vector<16xi32>
        %gather3A_321 = tpu.dynamic_gather %and3A_315[%gather3A_320] in [0] : vector<16xi32>, vector<16xi32> -> vector<16xi32>
        %broadcast_in_dim3A_322 = vector.shape_cast %xor3A_10 : vector<16xi32> to vector<16x1xi32>
        %gather3A_323 = vector.shape_cast %broadcast_in_dim3A_322 : vector<16x1xi32> to vector<16xi32>
        %gather3A_324 = tpu.dynamic_gather %and3A_315[%gather3A_323] in [0] : vector<16xi32>, vector<16xi32> -> vector<16xi32>
        %lt3A_325 = arith.cmpi slt, %gather3A_318, %add3A_316 : vector<16xi32>
        %lt3A_326 = arith.cmpi slt, %gather3A_321, %add3A_317 : vector<16xi32>
        %lt3A_327 = arith.cmpi slt, %gather3A_324, %add3A_317 : vector<16xi32>
        %and3A_328 = arith.andi %lt3A_325, %lt3A_326 : vector<16xi1>
        %or3A = arith.ori %lt3A_325, %lt3A_326 : vector<16xi1>
        %and3A_329 = arith.andi %or3A, %lt3A_327 : vector<16xi1>
        %or3A_330 = arith.ori %and3A_328, %and3A_329 : vector<16xi1>
        %jit3A_331 = arith.constant 0 : i32
        %broadcast_in_dim3A_332 = vector.broadcast %jit3A_331 : i32 to vector<16xi32>
        %select_n3A_333 = arith.select %or3A_330, %get3A_312, %broadcast_in_dim3A_332 : vector<16xi1>, vector<16xi32>
        %mul3A_334 = arith.constant 16 : i32
        %mul3A_335 = arith.muli %scan3A_306, %mul3A_334 : i32
        %swap3A = arith.constant 4 : i32
        %swap3A_336 = arith.index_cast %swap3A : i32 to index
        %swap3A_337 = arith.index_cast %mul3A_335 : i32 to index
        %swap3A_338 = tpu.vector_load %arg7[%swap3A_336, %swap3A_337] {strides = array<i32>} : memref<8x2048xi32, #tpu.memory_space<vmem>>, vector<1x16xi32>,
        %swap3A_339 = vector.shape_cast %swap3A_338 : vector<1x16xi32> to vector<16xi32>
        %swap3A_340 = vector.shape_cast %select_n3A_333 : vector<16xi32> to vector<1x16xi32>
        tpu.vector_store %arg7[%swap3A_336, %swap3A_337], %swap3A_340 {strides = array<i32>} : memref<8x2048xi32, #tpu.memory_space<vmem>>, vector<1x16xi32>,
      }
      %scan3A_236 = arith.constant 128 : i32
      %scan3A_237 = arith.constant 0 : i32
      %scan3A_238 = arith.constant 0 : i32
      %scan3A_239 = arith.constant 128 : i32
      %scan3A_240 = arith.addi %scan3A_238, %scan3A_239 : i32
      %scan3A_241 = arith.constant 1 : i32
      scf.for %scan3A_306 = %scan3A_238 to %scan3A_240 step %scan3A_241  : i32 {
        %mul3A_307 = arith.constant 16 : i32
        %mul3A_308 = arith.muli %scan3A_306, %mul3A_307 : i32
        %get3A = arith.constant 5 : i32
        %get3A_309 = arith.index_cast %get3A : i32 to index
        %get3A_310 = arith.index_cast %mul3A_308 : i32 to index
        %get3A_311 = tpu.vector_load %arg5[%get3A_309, %get3A_310] {strides = array<i32>} : memref<8x2048xi32, #tpu.memory_space<vmem>>, vector<1x16xi32>,
        %get3A_312 = vector.shape_cast %get3A_311 : vector<1x16xi32> to vector<16xi32>
        %and3A_313 = arith.constant 2147483647 : i32
        %and3A_314 = vector.broadcast %and3A_313 : i32 to vector<16xi32>
        %and3A_315 = arith.andi %get3A_312, %and3A_314 : vector<16xi32>
        %add3A_316 = arith.addi %and3A_315, %and3A_12 : vector<16xi32>
        %add3A_317 = arith.addi %and3A_315, %and3A_17 : vector<16xi32>
        %broadcast_in_dim3A = vector.shape_cast %xor3A_4 : vector<16xi32> to vector<16x1xi32>
        %gather3A = vector.shape_cast %broadcast_in_dim3A : vector<16x1xi32> to vector<16xi32>
        %gather3A_318 = tpu.dynamic_gather %and3A_315[%gather3A] in [0] : vector<16xi32>, vector<16xi32> -> vector<16xi32>
        %broadcast_in_dim3A_319 = vector.shape_cast %xor3A_7 : vector<16xi32> to vector<16x1xi32>
        %gather3A_320 = vector.shape_cast %broadcast_in_dim3A_319 : vector<16x1xi32> to vector<16xi32>
        %gather3A_321 = tpu.dynamic_gather %and3A_315[%gather3A_320] in [0] : vector<16xi32>, vector<16xi32> -> vector<16xi32>
        %broadcast_in_dim3A_322 = vector.shape_cast %xor3A_10 : vector<16xi32> to vector<16x1xi32>
        %gather3A_323 = vector.shape_cast %broadcast_in_dim3A_322 : vector<16x1xi32> to vector<16xi32>
        %gather3A_324 = tpu.dynamic_gather %and3A_315[%gather3A_323] in [0] : vector<16xi32>, vector<16xi32> -> vector<16xi32>
        %lt3A_325 = arith.cmpi slt, %gather3A_318, %add3A_316 : vector<16xi32>
        %lt3A_326 = arith.cmpi slt, %gather3A_321, %add3A_317 : vector<16xi32>
        %lt3A_327 = arith.cmpi slt, %gather3A_324, %add3A_317 : vector<16xi32>
        %and3A_328 = arith.andi %lt3A_325, %lt3A_326 : vector<16xi1>
        %or3A = arith.ori %lt3A_325, %lt3A_326 : vector<16xi1>
        %and3A_329 = arith.andi %or3A, %lt3A_327 : vector<16xi1>
        %or3A_330 = arith.ori %and3A_328, %and3A_329 : vector<16xi1>
        %jit3A_331 = arith.constant 0 : i32
        %broadcast_in_dim3A_332 = vector.broadcast %jit3A_331 : i32 to vector<16xi32>
        %select_n3A_333 = arith.select %or3A_330, %get3A_312, %broadcast_in_dim3A_332 : vector<16xi1>, vector<16xi32>
        %mul3A_334 = arith.constant 16 : i32
        %mul3A_335 = arith.muli %scan3A_306, %mul3A_334 : i32
        %swap3A = arith.constant 5 : i32
        %swap3A_336 = arith.index_cast %swap3A : i32 to index
        %swap3A_337 = arith.index_cast %mul3A_335 : i32 to index
        %swap3A_338 = tpu.vector_load %arg7[%swap3A_336, %swap3A_337] {strides = array<i32>} : memref<8x2048xi32, #tpu.memory_space<vmem>>, vector<1x16xi32>,
        %swap3A_339 = vector.shape_cast %swap3A_338 : vector<1x16xi32> to vector<16xi32>
        %swap3A_340 = vector.shape_cast %select_n3A_333 : vector<16xi32> to vector<1x16xi32>
        tpu.vector_store %arg7[%swap3A_336, %swap3A_337], %swap3A_340 {strides = array<i32>} : memref<8x2048xi32, #tpu.memory_space<vmem>>, vector<1x16xi32>,
      }
      %scan3A_242 = arith.constant 128 : i32
      %scan3A_243 = arith.constant 0 : i32
      %scan3A_244 = arith.constant 0 : i32
      %scan3A_245 = arith.constant 128 : i32
      %scan3A_246 = arith.addi %scan3A_244, %scan3A_245 : i32
      %scan3A_247 = arith.constant 1 : i32
      scf.for %scan3A_306 = %scan3A_244 to %scan3A_246 step %scan3A_247  : i32 {
        %mul3A_307 = arith.constant 16 : i32
        %mul3A_308 = arith.muli %scan3A_306, %mul3A_307 : i32
        %get3A = arith.constant 6 : i32
        %get3A_309 = arith.index_cast %get3A : i32 to index
        %get3A_310 = arith.index_cast %mul3A_308 : i32 to index
        %get3A_311 = tpu.vector_load %arg5[%get3A_309, %get3A_310] {strides = array<i32>} : memref<8x2048xi32, #tpu.memory_space<vmem>>, vector<1x16xi32>,
        %get3A_312 = vector.shape_cast %get3A_311 : vector<1x16xi32> to vector<16xi32>
        %and3A_313 = arith.constant 2147483647 : i32
        %and3A_314 = vector.broadcast %and3A_313 : i32 to vector<16xi32>
        %and3A_315 = arith.andi %get3A_312, %and3A_314 : vector<16xi32>
        %add3A_316 = arith.addi %and3A_315, %and3A_12 : vector<16xi32>
        %add3A_317 = arith.addi %and3A_315, %and3A_17 : vector<16xi32>
        %broadcast_in_dim3A = vector.shape_cast %xor3A_4 : vector<16xi32> to vector<16x1xi32>
        %gather3A = vector.shape_cast %broadcast_in_dim3A : vector<16x1xi32> to vector<16xi32>
        %gather3A_318 = tpu.dynamic_gather %and3A_315[%gather3A] in [0] : vector<16xi32>, vector<16xi32> -> vector<16xi32>
        %broadcast_in_dim3A_319 = vector.shape_cast %xor3A_7 : vector<16xi32> to vector<16x1xi32>
        %gather3A_320 = vector.shape_cast %broadcast_in_dim3A_319 : vector<16x1xi32> to vector<16xi32>
        %gather3A_321 = tpu.dynamic_gather %and3A_315[%gather3A_320] in [0] : vector<16xi32>, vector<16xi32> -> vector<16xi32>
        %broadcast_in_dim3A_322 = vector.shape_cast %xor3A_10 : vector<16xi32> to vector<16x1xi32>
        %gather3A_323 = vector.shape_cast %broadcast_in_dim3A_322 : vector<16x1xi32> to vector<16xi32>
        %gather3A_324 = tpu.dynamic_gather %and3A_315[%gather3A_323] in [0] : vector<16xi32>, vector<16xi32> -> vector<16xi32>
        %lt3A_325 = arith.cmpi slt, %gather3A_318, %add3A_316 : vector<16xi32>
        %lt3A_326 = arith.cmpi slt, %gather3A_321, %add3A_317 : vector<16xi32>
        %lt3A_327 = arith.cmpi slt, %gather3A_324, %add3A_317 : vector<16xi32>
        %and3A_328 = arith.andi %lt3A_325, %lt3A_326 : vector<16xi1>
        %or3A = arith.ori %lt3A_325, %lt3A_326 : vector<16xi1>
        %and3A_329 = arith.andi %or3A, %lt3A_327 : vector<16xi1>
        %or3A_330 = arith.ori %and3A_328, %and3A_329 : vector<16xi1>
        %jit3A_331 = arith.constant 0 : i32
        %broadcast_in_dim3A_332 = vector.broadcast %jit3A_331 : i32 to vector<16xi32>
        %select_n3A_333 = arith.select %or3A_330, %get3A_312, %broadcast_in_dim3A_332 : vector<16xi1>, vector<16xi32>
        %mul3A_334 = arith.constant 16 : i32
        %mul3A_335 = arith.muli %scan3A_306, %mul3A_334 : i32
        %swap3A = arith.constant 6 : i32
        %swap3A_336 = arith.index_cast %swap3A : i32 to index
        %swap3A_337 = arith.index_cast %mul3A_335 : i32 to index
        %swap3A_338 = tpu.vector_load %arg7[%swap3A_336, %swap3A_337] {strides = array<i32>} : memref<8x2048xi32, #tpu.memory_space<vmem>>, vector<1x16xi32>,
        %swap3A_339 = vector.shape_cast %swap3A_338 : vector<1x16xi32> to vector<16xi32>
        %swap3A_340 = vector.shape_cast %select_n3A_333 : vector<16xi32> to vector<1x16xi32>
        tpu.vector_store %arg7[%swap3A_336, %swap3A_337], %swap3A_340 {strides = array<i32>} : memref<8x2048xi32, #tpu.memory_space<vmem>>, vector<1x16xi32>,
      }
      %scan3A_248 = arith.constant 128 : i32
      %scan3A_249 = arith.constant 0 : i32
      %scan3A_250 = arith.constant 0 : i32
      %scan3A_251 = arith.constant 128 : i32
      %scan3A_252 = arith.addi %scan3A_250, %scan3A_251 : i32
      %scan3A_253 = arith.constant 1 : i32
      scf.for %scan3A_306 = %scan3A_250 to %scan3A_252 step %scan3A_253  : i32 {
        %mul3A_307 = arith.constant 16 : i32
        %mul3A_308 = arith.muli %scan3A_306, %mul3A_307 : i32
        %get3A = arith.constant 7 : i32
        %get3A_309 = arith.index_cast %get3A : i32 to index
        %get3A_310 = arith.index_cast %mul3A_308 : i32 to index
        %get3A_311 = tpu.vector_load %arg5[%get3A_309, %get3A_310] {strides = array<i32>} : memref<8x2048xi32, #tpu.memory_space<vmem>>, vector<1x16xi32>,
        %get3A_312 = vector.shape_cast %get3A_311 : vector<1x16xi32> to vector<16xi32>
        %and3A_313 = arith.constant 2147483647 : i32
        %and3A_314 = vector.broadcast %and3A_313 : i32 to vector<16xi32>
        %and3A_315 = arith.andi %get3A_312, %and3A_314 : vector<16xi32>
        %add3A_316 = arith.addi %and3A_315, %and3A_12 : vector<16xi32>
        %add3A_317 = arith.addi %and3A_315, %and3A_17 : vector<16xi32>
        %broadcast_in_dim3A = vector.shape_cast %xor3A_4 : vector<16xi32> to vector<16x1xi32>
        %gather3A = vector.shape_cast %broadcast_in_dim3A : vector<16x1xi32> to vector<16xi32>
        %gather3A_318 = tpu.dynamic_gather %and3A_315[%gather3A] in [0] : vector<16xi32>, vector<16xi32> -> vector<16xi32>
        %broadcast_in_dim3A_319 = vector.shape_cast %xor3A_7 : vector<16xi32> to vector<16x1xi32>
        %gather3A_320 = vector.shape_cast %broadcast_in_dim3A_319 : vector<16x1xi32> to vector<16xi32>
        %gather3A_321 = tpu.dynamic_gather %and3A_315[%gather3A_320] in [0] : vector<16xi32>, vector<16xi32> -> vector<16xi32>
        %broadcast_in_dim3A_322 = vector.shape_cast %xor3A_10 : vector<16xi32> to vector<16x1xi32>
        %gather3A_323 = vector.shape_cast %broadcast_in_dim3A_322 : vector<16x1xi32> to vector<16xi32>
        %gather3A_324 = tpu.dynamic_gather %and3A_315[%gather3A_323] in [0] : vector<16xi32>, vector<16xi32> -> vector<16xi32>
        %lt3A_325 = arith.cmpi slt, %gather3A_318, %add3A_316 : vector<16xi32>
        %lt3A_326 = arith.cmpi slt, %gather3A_321, %add3A_317 : vector<16xi32>
        %lt3A_327 = arith.cmpi slt, %gather3A_324, %add3A_317 : vector<16xi32>
        %and3A_328 = arith.andi %lt3A_325, %lt3A_326 : vector<16xi1>
        %or3A = arith.ori %lt3A_325, %lt3A_326 : vector<16xi1>
        %and3A_329 = arith.andi %or3A, %lt3A_327 : vector<16xi1>
        %or3A_330 = arith.ori %and3A_328, %and3A_329 : vector<16xi1>
        %jit3A_331 = arith.constant 0 : i32
        %broadcast_in_dim3A_332 = vector.broadcast %jit3A_331 : i32 to vector<16xi32>
        %select_n3A_333 = arith.select %or3A_330, %get3A_312, %broadcast_in_dim3A_332 : vector<16xi1>, vector<16xi32>
        %mul3A_334 = arith.constant 16 : i32
        %mul3A_335 = arith.muli %scan3A_306, %mul3A_334 : i32
        %swap3A = arith.constant 7 : i32
        %swap3A_336 = arith.index_cast %swap3A : i32 to index
        %swap3A_337 = arith.index_cast %mul3A_335 : i32 to index
        %swap3A_338 = tpu.vector_load %arg7[%swap3A_336, %swap3A_337] {strides = array<i32>} : memref<8x2048xi32, #tpu.memory_space<vmem>>, vector<1x16xi32>,
        %swap3A_339 = vector.shape_cast %swap3A_338 : vector<1x16xi32> to vector<16xi32>
        %swap3A_340 = vector.shape_cast %select_n3A_333 : vector<16xi32> to vector<1x16xi32>
        tpu.vector_store %arg7[%swap3A_336, %swap3A_337], %swap3A_340 {strides = array<i32>} : memref<8x2048xi32, #tpu.memory_space<vmem>>, vector<1x16xi32>,
      }
      %scan3A_254 = arith.constant 128 : i32
      %add3A_255 = arith.constant 1 : i32
      %add3A_256 = arith.addi %mul3A_43, %add3A_255 : i32
      %jit3A_257 = arith.constant 4 : i32
      %div3A_258 = arith.divsi %add3A_256, %jit3A_257 : i32
      %sign3A_259 = arith.constant 0 : i32
      %sign3A_260 = arith.cmpi sgt, %add3A_256, %sign3A_259 : i32
      %sign3A_261 = arith.extui %sign3A_260 : i1 to i32
      %sign3A_262 = arith.constant 0 : i32
      %sign3A_263 = arith.cmpi slt, %add3A_256, %sign3A_262 : i32
      %sign3A_264 = arith.extui %sign3A_263 : i1 to i32
      %sign3A_265 = arith.subi %sign3A_261, %sign3A_264 : i32
      %sign3A_266 = arith.constant 0 : i32
      %sign3A_267 = arith.cmpi sgt, %jit3A_257, %sign3A_266 : i32
      %sign3A_268 = arith.extui %sign3A_267 : i1 to i32
      %sign3A_269 = arith.constant 0 : i32
      %sign3A_270 = arith.cmpi slt, %jit3A_257, %sign3A_269 : i32
      %sign3A_271 = arith.extui %sign3A_270 : i1 to i32
      %sign3A_272 = arith.subi %sign3A_268, %sign3A_271 : i32
      %ne3A_273 = arith.cmpi ne, %sign3A_265, %sign3A_272 : i32
      %rem3A_274 = arith.remsi %add3A_256, %jit3A_257 : i32
      %ne3A_275 = arith.constant 0 : i32
      %ne3A_276 = arith.cmpi ne, %rem3A_274, %ne3A_275 : i32
      %and3A_277 = arith.andi %ne3A_273, %ne3A_276 : i1
      %sub3A_278 = arith.constant 1 : i32
      %sub3A_279 = arith.subi %div3A_258, %sub3A_278 : i32
      %select_n3A_280 = arith.select %and3A_277, %sub3A_279, %div3A_258 : i32
      %mul3A_281 = arith.constant 8 : i32
      %mul3A_282 = arith.muli %select_n3A_280, %mul3A_281 : i32
      %add3A_283 = arith.addi %mul3A_2, %mul3A_282 : i32
      %jit3A_284 = arith.constant 4 : i32
      %eq3A_285 = arith.constant 0 : i32
      %eq3A_286 = arith.cmpi eq, %jit3A_284, %eq3A_285 : i32
      %jit3A_287 = arith.constant 1 : i32
      %select_n3A_288 = arith.select %eq3A_286, %jit3A_287, %jit3A_284 : i32
      %rem3A_289 = arith.remsi %add3A_256, %select_n3A_288 : i32
      %ne3A_290 = arith.constant 0 : i32
      %ne3A_291 = arith.cmpi ne, %rem3A_289, %ne3A_290 : i32
      %lt3A_292 = arith.constant 0 : i32
      %lt3A_293 = arith.cmpi slt, %rem3A_289, %lt3A_292 : i32
      %lt3A_294 = arith.constant 0 : i32
      %lt3A_295 = arith.cmpi slt, %select_n3A_288, %lt3A_294 : i32
      %ne3A_296 = arith.xori %lt3A_293, %lt3A_295 : i1
      %and3A_297 = arith.andi %ne3A_296, %ne3A_291 : i1
      %add3A_298 = arith.addi %rem3A_289, %select_n3A_288 : i32
      %select_n3A_299 = arith.select %and3A_297, %add3A_298, %rem3A_289 : i32
      %mul3A_300 = arith.constant 2048 : i32
      %mul3A_301 = arith.muli %select_n3A_299, %mul3A_300 : i32
      %dma_start3A_302 = tpu.memref_bitcast %arg3 : memref<2048x8192xf32, #tpu.memory_space<hbm>> -> memref<2048x8192xi32, #tpu.memory_space<hbm>>
      %dma_start3A_303 = tpu.memref_slice %dma_start3A_302[%add3A_283, %mul3A_301] : memref<2048x8192xi32, #tpu.memory_space<hbm>> -> memref<8x2048xi32, #tpu.memory_space<hbm>>
      %dma_start3A_304 = tpu.memref_bitcast %arg3 : memref<2048x8192xf32, #tpu.memory_space<hbm>> -> memref<2048x8192xi32, #tpu.memory_space<hbm>>
      %dma_start3A_305 = tpu.memref_slice %dma_start3A_304[%add3A_283, %mul3A_301] : memref<2048x8192xi32, #tpu.memory_space<hbm>> -> memref<8x2048xi32, #tpu.memory_space<hbm>>
      tpu.enqueue_dma source(%arg7 : memref<8x2048xi32, #tpu.memory_space<vmem>>) target(%dma_start3A_305 : memref<8x2048xi32, #tpu.memory_space<hbm>>) target_semaphore(%arg11 : memref<!tpu.dma_semaphore, #tpu.memory_space<semaphore_mem>>)
    }
    %scan3A_29 = arith.constant 16 : i32
    %dma_wait3A = tpu.memref_bitcast %arg3 : memref<2048x8192xf32, #tpu.memory_space<hbm>> -> memref<2048x8192xi32, #tpu.memory_space<hbm>>
    %dma_wait3A_30 = arith.constant 0 : i32
    %dma_wait3A_31 = tpu.memref_slice %dma_wait3A[%mul3A_2, %dma_wait3A_30] : memref<2048x8192xi32, #tpu.memory_space<hbm>> -> memref<8x2048xi32, #tpu.memory_space<hbm>>
    %dma_wait3A_32 = tpu.memref_bitcast %arg3 : memref<2048x8192xf32, #tpu.memory_space<hbm>> -> memref<2048x8192xi32, #tpu.memory_space<hbm>>
    %dma_wait3A_33 = arith.constant 0 : i32
    %dma_wait3A_34 = tpu.memref_slice %dma_wait3A_32[%mul3A_2, %dma_wait3A_33] : memref<2048x8192xi32, #tpu.memory_space<hbm>> -> memref<8x2048xi32, #tpu.memory_space<hbm>>
    tpu.wait_dma2 semaphore(%arg10 : memref<!tpu.dma_semaphore, #tpu.memory_space<semaphore_mem>>) src(%arg6 : memref<8x2048xi32, #tpu.memory_space<vmem>>) dst(%dma_wait3A_34 : memref<8x2048xi32, #tpu.memory_space<hbm>>)
    %dma_wait3A_35 = tpu.memref_bitcast %arg3 : memref<2048x8192xf32, #tpu.memory_space<hbm>> -> memref<2048x8192xi32, #tpu.memory_space<hbm>>
    %dma_wait3A_36 = arith.constant 0 : i32
    %dma_wait3A_37 = tpu.memref_slice %dma_wait3A_35[%mul3A_2, %dma_wait3A_36] : memref<2048x8192xi32, #tpu.memory_space<hbm>> -> memref<8x2048xi32, #tpu.memory_space<hbm>>
    %dma_wait3A_38 = tpu.memref_bitcast %arg3 : memref<2048x8192xf32, #tpu.memory_space<hbm>> -> memref<2048x8192xi32, #tpu.memory_space<hbm>>
    %dma_wait3A_39 = arith.constant 0 : i32
    %dma_wait3A_40 = tpu.memref_slice %dma_wait3A_38[%mul3A_2, %dma_wait3A_39] : memref<2048x8192xi32, #tpu.memory_space<hbm>> -> memref<8x2048xi32, #tpu.memory_space<hbm>>
    tpu.wait_dma2 semaphore(%arg11 : memref<!tpu.dma_semaphore, #tpu.memory_space<semaphore_mem>>) src(%arg7 : memref<8x2048xi32, #tpu.memory_space<vmem>>) dst(%dma_wait3A_40 : memref<8x2048xi32, #tpu.memory_space<hbm>>)
    return
  }
}

</mosaic_0001>

<sc_bundles>
// kernel: kernel.3.cloned.1.call-start
scs
__scs_entry_jumppad:
0x0: {  	(pc) =	sbr.rel $0x88, $3  }
0x1: {  	(tag) =	ssettag $0x0;
	lr =	simm.s32 $0x1  }
0x2: {  	[smem:$0x3FA0] =	sst lr;
	_ =	strace $0xD0000000  }
0x3: {  	_ = 	snop  }
0x4: {  	_ = 	snop  }
0x5: {  	_ = 	snop  }
0x6: {  	_ = 	snop  }
0x7: {  	_ = 	snop  }
__scs_overlays_trampoline_lowered:
0x8: {  	[smem:$0x3FAF] =	sst s0  }
0x9: {  	[smem:$0x3FB0] =	sst s1  }
0xa: {  	[smem:$0x3FB1] =	sst s2  }
0xb: {  	[smem:$0x3FB2] =	sst s3  }
0xc: {  	[smem:$0x3FB3] =	sst s4  }
0xd: {  	[smem:$0x3FB4] =	sst s5  }
0xe: {  	[smem:$0x3FB5] =	sst s6  }
0xf: {  	[smem:$0x3FB6] =	sst s7  }
0x10: {  	[smem:$0x3FB7] =	sst s8  }
0x11: {  	[smem:$0x3FB8] =	sst s9;
	s0 =	simm.s32 @!p0 $0x0  }
0x12: {  	s1 =	sld [smem:$0x3F9E];
	s0 =	simm.s32 @p0 $0x1  }
0x13: {  	[smem:$0x3FB9] =	sst s0;
	s0 =	simm.s32 @!p1 $0x0  }
0x14: {  	s2 =	sld [smem:$0x3F9D];
	s0 =	simm.s32 @p1 $0x1  }
0x15: {  	[smem:$0x3FBA] =	sst s0;
	s0 =	simm.s32 @!p2 $0x0  }
0x16: {  	s3 =	sld [smem:$0x3FDB];
	s0 =	simm.s32 @p2 $0x1  }
0x17: {  	s4 =	simm.s32 $0x1BF5;
	[smem:$0x3FBC] =	sst s0  }
0x18: {  	s0 =	sld [smem:$0x3F9F];
	_ =	swait.ge [sflag:s4], $0x0  }
0x19: {  	s7 =	sld [smem:$0x3FA0]  }
0x1a: {  	s8 =	sadd.s32 $0xFFFFE003, lr  }
0x1b: {  	s9 =	sadd.s32 $0xFFFFFEF7, lr;
	s5 =	simm.s32 $0xFFFFFFFF;
	p2 =	slt.u32 s8, $0xFFFFF086  }
0x1c: {  	p1 =	slt.u32 s9, $0xF7A;
	s5 =	simm.s32 @!p2 $0x0  }
0x1d: {  	s5 =	simm.s32 @p1 $0x1;
	p0 =	seq.s32 s7, s2  }
0x1e: {  	s7 =	smul.u32 @!p0 $0xF7A, s2;
	p2 =	seq.s32 @!p0 s5, $0x0  }
0x1f: {  	s9 =	smul.u32 $0xF7A, s1;
	s8 =	simm.s32 @!p0 $0x1BF5;
	p2 =	por !p2, p0  }
0x20: {  	[sflag:s8] =	ssyncset.s32 @!p0 $0xFFFFF086;
	s6 =	sadd.s32 @!p0 s3, s7;
	s7 =	simm.s32 @!p0 $0x108  }
0x21: {  	s3 =	sadd.s32 s3, s9;
	s6 =	sadd.s32 @!p0 $0x88, s6;
	s7 =	simm.s32 @p2 $0x1082  }
0x22: {  	[simem:s7], [sflag:s8] =	dma.local @!p0 [hbm:s6], $0xF7A  }
0x23: {  	s9 =	sor.u32 $0xD0000000, s2;
	s6 =	simm.s32 $0x108;
	_ =	swait.ge @!p0 [sflag:s8], $0x0  }
0x24: {  	s3 =	sadd.s32 $0x88, s3;
	s6 =	simm.s32 @!p1 $0x1082;
	[sflag:s4] =	ssyncset.s32 $0xFFFFF086  }
0x25: {  	[simem:s6], [sflag:s4] =	dma.local [hbm:s3], $0xF7A  }
0x26: {  	[smem:$0x3FA0] =	sst s1;
	(tag) =	ssettag s2;
	_ =	strace s9  }
0x27: {  	s1 =	sld [smem:$0x3FB0]  }
0x28: {  	s2 =	sld [smem:$0x3FB1]  }
0x29: {  	s4 =	sld [smem:$0x3FB3]  }
0x2a: {  	p0 =	seq.s32 s5, $0x0;
	s5 =	sld [smem:$0x3FB4]  }
0x2b: {  	s6 =	sld [smem:$0x3FB5]  }
0x2c: {  	s7 =	sld [smem:$0x3FB6]  }
0x2d: {  	s3 =	simm.s32 $0x108;
	s8 =	sld [smem:$0x3FB7]  }
0x2e: {  	s3 =	simm.s32 @!p0 $0x1082;
	s9 =	sld [smem:$0x3FB8]  }
0x2f: {  	lr =	sadd.s32 s0, s3;
	s0 =	sld [smem:$0x3FAF]  }
0x30: {  	s3 =	sld [smem:$0x3FB2]  }
0x31: {  	[smem:$0x3FBB] =	sst s10  }
0x32: {  	s10 =	sld [smem:$0x3FB9];
	_ =	sdelay $0x3  }
0x33: {  	p0 =	seq.s32 s10, $0x1;
	s10 =	sld [smem:$0x3FBB];
	_ =	sdelay $0x3  }
0x34: {  	[smem:$0x3FBB] =	sst s10  }
0x35: {  	s10 =	sld [smem:$0x3FBA];
	_ =	sdelay $0x3  }
0x36: {  	p1 =	seq.s32 s10, $0x1;
	s10 =	sld [smem:$0x3FBB];
	_ =	sdelay $0x3  }
0x37: {  	[smem:$0x3FBB] =	sst s10  }
0x38: {  	s10 =	sld [smem:$0x3FBC]  }
0x39: {  	_ = 	snop;
	(pc) =	sbr.ind lr, $3  }
0x3a: {  	_ = 	snop  }
0x3b: {  	_ = 	snop  }
0x3c: {  	p2 =	seq.s32 s10, $0x1;
	s10 =	sld [smem:$0x3FBB]  }
0x3d: {  	_ =	shalt  }
0x3e: {  	_ =	shalt  }
0x3f: {  	_ =	shalt  }
0x40: {  	_ =	shalt  }
0x41: {  	_ =	shalt  }
0x42: {  	_ =	shalt  }
0x43: {  	_ =	shalt  }
0x44: {  	_ =	shalt  }
0x45: {  	_ =	shalt  }
0x46: {  	_ =	shalt  }
0x47: {  	_ =	shalt  }
0x48: {  	_ =	shalt  }
0x49: {  	_ =	shalt  }
0x4a: {  	_ =	shalt  }
0x4b: {  	_ =	shalt  }
0x4c: {  	_ =	shalt  }
0x4d: {  	_ =	shalt  }
0x4e: {  	_ =	shalt  }
0x4f: {  	_ =	shalt  }
0x50: {  	_ =	shalt  }
0x51: {  	_ =	shalt  }
0x52: {  	_ =	shalt  }
0x53: {  	_ =	shalt  }
0x54: {  	_ =	shalt  }
0x55: {  	_ =	shalt  }
0x56: {  	_ =	shalt  }
0x57: {  	_ =	shalt  }
0x58: {  	_ =	shalt  }
0x59: {  	_ =	shalt  }
0x5a: {  	_ =	shalt  }
0x5b: {  	_ =	shalt  }
0x5c: {  	_ =	shalt  }
0x5d: {  	_ =	shalt  }
0x5e: {  	_ =	shalt  }
0x5f: {  	_ =	shalt  }
0x60: {  	_ =	shalt  }
0x61: {  	_ =	shalt  }
0x62: {  	_ =	shalt  }
0x63: {  	_ =	shalt  }
0x64: {  	_ =	shalt  }
0x65: {  	_ =	shalt  }
0x66: {  	_ =	shalt  }
0x67: {  	_ =	shalt  }
0x68: {  	_ =	shalt  }
0x69: {  	_ =	shalt  }
0x6a: {  	_ =	shalt  }
0x6b: {  	_ =	shalt  }
0x6c: {  	_ =	shalt  }
0x6d: {  	_ =	shalt  }
0x6e: {  	_ =	shalt  }
0x6f: {  	_ =	shalt  }
0x70: {  	_ =	shalt  }
0x71: {  	_ =	shalt  }
0x72: {  	_ =	shalt  }
0x73: {  	_ =	shalt  }
0x74: {  	_ =	shalt  }
0x75: {  	_ =	shalt  }
0x76: {  	_ =	shalt  }
0x77: {  	_ =	shalt  }
0x78: {  	_ =	shalt  }
0x79: {  	_ =	shalt  }
0x7a: {  	_ =	shalt  }
0x7b: {  	_ =	shalt  }
0x7c: {  	_ =	shalt  }
0x7d: {  	_ =	shalt  }
0x7e: {  	_ =	shalt  }
0x7f: {  	_ =	shalt  }
0x80: {  	_ =	shalt  }
0x81: {  	_ =	shalt  }
0x82: {  	_ =	shalt  }
0x83: {  	_ =	shalt  }
0x84: {  	_ =	shalt  }
0x85: {  	_ =	shalt  }
0x86: {  	_ =	shalt  }
0x87: {  	_ =	shalt  }
.Lfunc_end0:
.L_simem_size_0:
called_computation_lowered:
.L_overlay_start_0:
0x88: {  	s2 =	sld [smem:$0x3FD9]  }
0x89: {  	s3 =	sld [smem:$0x3FFE];
	_ =	sdelay $0x1  }
0x8a: {  	s1 =	srdreg.scid  }
0x8b: {  	s0 =	sand.u32 $0x1, s1  }
0x8c: {  	s18 =	sshll.u32 s0, $0xA;
	s2 =	sadd.s32 s3, s2  }
0x8d: {  	s2 =	sadd.s32 s2, s18  }
0x8e: {  	[smem:$0x3FC7] =	sst s2  }
0x8f: {  	_ = 	snop  }
0x90: {  	s2 =	sld [smem:$0x3FC9]  }
0x91: {  	s19 =	sld [smem:$0x3FD0];
	(tm) =	ssettm $0x1  }
0x92: {  	s4 =	sld [smem:$0x3FFB];
	_ =	sdelay $0x3  }
0x93: {  	_ =	strace s4  }
0x94: {  	s4 =	sld [smem:$0x3FFC];
	_ =	sdelay $0x3  }
0x95: {  	_ =	strace s4  }
0x96: {  	s4 =	sld [smem:$0x3FFD];
	_ =	sdelay $0x3  }
0x97: {  	_ =	strace s4  }
0x98: {  	_ =	strace $0x8FFFFFFF  }
0x99: {  	s20 =	sld [smem:$0x3FDB];
	_ =	sdelay $0x1  }
0x9a: {  	s5 =	simm.s32 $_scs_section_size  }
0x9b: {  	s6 =	simm.s32 $_size__tile_overlayer_lowered;
	s7 =	simm.s32 $_tile_overlayer_lowered  }
0x9c: {  	s23 =	simm.s32 $0x1BFF;
	s22 =	sshll.u32 s7, $0x1;
	s4 =	sadd.s32 s5, s20  }
0x9d: {  	s8 =	simm.s32 $0x0;
	s21 =	sshll.u32 s6, $0x1;
	s6 =	sadd.s32 s22, s4  }
0x9e: {  	[timem:s8], [sflag:s23] =	dma.local [hbm:s6], s21  }
0x9f: {  	_ =	swait.ge [sflag:s23], s21  }
0xa0: {  	s5 =	ssub.s32 $0x0, s21;
	[sflag:s23] =	ssyncset.done $0x0  }
0xa1: {  	[sflag:s23] =	ssyncadd.s32 s5;
	_ =	sdelay $0x1  }
0xa2: {  	s24 =	simm.s32 $0x1B8B  }
0xa3: {  	_ =	swait.ge [sflag:s24], $0x1  }
0xa4: {  	[sflag:s24] =	ssyncset.done $0x0  }
0xa5: {  	s25 =	simm.s32 $0x1B8E;
	[sflag:s24] =	ssyncadd.s32 $0xFFFFFFFF  }
0xa6: {  	s26 =	simm.s32 $execute0_lowered;
	[smem:$0x3FD2] =	sst s25  }
0xa7: {  	s5 =	sshll.u32 s26, $0x1;
	_ =	strace $0x80000046;
	[dreg:$0x1] =	wrdreg $0xFFFFFFFF  }
0xa8: {  	s28 =	simm.s32 $_size_execute0_lowered;
	s4 =	sadd.s32 s4, s5;
	[dreg:$0x0] =	wrdreg $0x0  }
0xa9: {  	s5 =	sshll.u32 s28, $0x1;
	[dreg:$0x2] =	wrdreg s4  }
0xaa: {  	[dreg:$0x3] =	wrdreg s5  }
0xab: {  	[dreg:$0x4] =	wrdreg $0xC0  }
0xac: {  	_ =	task [dreg:s8], $0x5FFFF  }
0xad: {  	[dreg:$0x1] =	wrdreg $0xFFFFFFFF  }
0xae: {  	[dreg:$0x0] =	wrdreg $0x60  }
0xaf: {  	[dreg:$0x2] =	wrdreg s2  }
0xb0: {  	[dreg:$0x3] =	wrdreg s19  }
0xb1: {  	[dreg:$0x4] =	wrdreg $0x9  }
0xb2: {  	_ =	task.clear_ibuf [dreg:s8], $0x5FFFF;
	_ =	strace $0x90000046  }
0xb3: {  	s29 =	simm.s32 $0x9;
	_ =	strace $0x80000048  }
0xb4: {  	_ =	swait.ge [sflag:s29], $0x1  }
0xb5: {  	[sflag:s29] =	ssyncadd.s32 $0xFFFFFFFF  }
0xb6: {  	_ =	strace $0x90000048  }
0xb7: {  	_ =	sfence  }
0xb8: {  	s30 =	sld [smem:$0x0];
	_ =	sdelay $0x2  }
0xb9: {  	s31 =	sshll.u32 s1, $0xD;
	s1 =	sshrl.u32 s1, $0x2  }
0xba: {  	s3 =	sand.u32 $0x4000, s31;
	s1 =	sadd.s32 s1, s30  }
0xbb: {  	s0 =	sor.u32 s3, s0;
	s1 =	sshll.u32 s1, $0x11  }
0xbc: {  	s0 =	sor.u32 s1, s0  }
0xbd: {  	s0 =	sadd.s32 $0x8F2B, s0  }
0xbe: {  	[sflag:s0] =	ssyncadd.remote.s32 $0x1  }
0xbf: {  	_ =	sfence.sel $0xFFFF  }
0xc0: {  	[dreg:$0x0] =	wrdreg $0xFFFFFFFF;
	(pc) =	sbr.abs _section_cstart, $3  }
0xc1: {  	[dreg:$0x1] =	wrdreg $0xFFFFFFFF  }
0xc2: {  	_ =	task.clear_ibuf [dreg:s8], $0x2FFFF;
	_ =	strace $0x9FFFFFFF  }
0xc3: {  	(tm) =	ssettm $0x7FFFFFFF  }
tec
execute0_lowered:
.L_overlay_start_1:
0x0: {  	(tag) =	ssettag $0x1  }
0x1: {  	s1 =	rddreg [dreg:$0x0]  }
0x2: {  	s3 =	rddreg [dreg:$0x1];
	s4 =	srdreg.scid;
	v0 =	vimm.s32 $0xEFCDAB89  }
0x3: {  	s0 =	rddreg [dreg:$0x2];
	s2 =	stileid.u32;
	v1 =	vimm.s32 $0x67452301;
	v2 =	vimm.s32 $0xDCFE98BA;
	v3 =	vimm.s32 $0x54761032;
	s9 =	simm.s32 $0x1  }
0x4: {  	v4 =	vimm.s32 $0xCDEF89AB;
	v5 =	vimm.s32 $0x45670123;
	s10 =	simm.s32 $0x8000;
	s11 =	simm.s32 $0x2;
	s12 =	simm.s32 $0x4;
	v0 =	vunpack.c.l.s4.s8 v0  }
0x5: {  	s13 =	simm.s32 $0xC000;
	s14 =	simm.s32 $0x3;
	s15 =	simm.s32 $0x0;
	v1 =	vunpack.c.l.s4.s8 v1;
	v2 =	vunpack.c.l.s4.s8 v2;
	v3 =	vunpack.c.l.s4.s8 v3  }
0x6: {  	s5 =	sand.u32 $0x1, s4;
	s4 =	simm.s32 $0x0;
	s6 =	sshll.u32 s2, $0x7;
	v4 =	vunpack.c.l.s4.s8 v4;
	v5 =	vunpack.c.l.s4.s8 v5;
	v0 =	vunpack.c.0.s8.s32 v0  }
0x7: {  	s7 =	sshll.u32 s5, $0x6;
	[smem:$0x7FF] =	sst s4;
	s5 =	ssub.s32 $0x2, s5;
	v1 =	vunpack.c.0.s8.s32 v1;
	v2 =	vunpack.c.0.s8.s32 v2;
	v3 =	vunpack.c.0.s8.s32 v3  }
0x8: {  	v6 =	vlaneseq.u32;
	s6 =	sor.u32 s7, s6;
	_ =	strace $0x80000047;
	s31 =	sshrl.u32 s5, $0x1;
	v4 =	vunpack.c.0.s8.s32 v4;
	v5 =	vunpack.c.0.s8.s32 v5  }
0x9: {  	s8 =	sshll.u32 s6, $0xA;
	s7 =	ssub.s32 s5, s31;
	s6 =	sshrl.u32 s6, $0x3;
	v0 =	vcombine.low v1, v0;
	v1 =	vcombine.low v3, v2;
	v3 =	vshrl.u32 v6, $0x1  }
0xa: {  	s5 =	sadd.s32 s1, s8;
	s7 =	smax.u32 s7, $0x1;
	s8 =	simm.s32 $0x4000;
	v2 =	vand.u32 $0x1, v6;
	v4 =	vcombine.low v5, v4;
	v3 =	vand.u32 $0x1, v3  }
.LBB2_1:
0xb: {  	[tilespmem:s4], [sflag:$0x1] =	stream.linear.gather [hbm4b:s5+s4], $0x4000, $0x38;
	[tilespmem:$0x10000] =	vst v63  }
0xc: {  	s16 =	simm.s32 $0x0  }
.LBB2_2:
0xd: {  	s17 =	sshrl.u32 s16, $0x1  }
0xe: {  	s19 =	sshll.u32 s16, $0xC;
	s17 =	sor.u32 s6, s17  }
0xf: {  	s19 =	sand.u32 $0x1000, s19;
	s18 =	sshll.u32 s17, $0xD  }
0x10: {  	s17 =	sor.u32 s19, s18  }
0x11: {  	s17 =	sor.u32 $0x800, s17  }
0x12: {  	s20 =	sadd.s32 s1, s17  }
0x13: {  	[tilespmem:s8], [sflag:$0x2] =	stream.linear.gather [hbm4b:s20+s4], $0x4000, $0x38;
	[tilespmem:$0x10000] =	vst v63  }
0x14: {  	_ =	swait.ge [sflag:s9], $0x4000  }
0x15: {  	p0 =	seq.s32 s16, $0x0;
	[sflag:s9] =	ssyncset.done $0x0  }
0x16: {  	s20 =	simm.s32 @!p0 $0x3;
	[sflag:s9] =	ssyncadd.s32 $0xFFFFC000  }
0x17: {  	s22 =	simm.s32 $0x0;
	_ =	swait.ge @!p0 [sflag:s20], $0x4000  }
0x18: {  	s21 =	sand.u32 $0x70, s22;
	s22 =	sand.u32 $0x3C00, s22;
	[sflag:s20] =	ssyncset.done @!p0 $0x0  }
0x19: {  	s24 =	sor.u32 s21, s22;
	[sflag:s20] =	ssyncadd.s32 @!p0 $0xFFFFC000  }
0x1a: {  	v5 =	vld [tilespmem:s24+$0x0];
	_ =	sdelay $0x2  }
0x1b: {  	s30 =	simm.s32 $0x10;
	s26 =	simm.s32 $0x80  }
0x1c: {  	s23 =	sand.u32 $0x70, s30;
	s31 =	sand.u32 $0x3C00, s26  }
0x1d: {  	s25 =	sor.u32 s23, s31;
	v8 =	vand.u32 $0x7FFFFFFF, v5  }
0x1e: {  	v6 =	vld [tilespmem:s25+$0x0];
	v9 =	vperm.xlane v8, v0;
	v10 =	vperm.xlane v8, v1  }
0x1f: {  	v11 =	vadd.s32 v2, v8;
	v7 =	vadd.s32 v3, v8;
	v8 =	vperm.xlane v8, v4  }
0x20: {  	s28 =	simm.s32 $0x20;
	s20 =	sshll.u32 s16, $0x1;
	vm0 =	vlt.s32 v9, v11;
	vm1 =	vlt.s32 v10, v7  }
.LBB2_3:
0x21: {  	s29 =	sand.u32 $0x70, s28;
	s26 =	sadd.s32 $0x80, s26;
	vm2 =	vlt.s32 v8, v7;
	vm3 =	vmor vm0, vm1;
	p1 =	sne.s32 s28, $0x7F0  }
.Ltmp0:
0x22: {  	s28 =	sadd.s32 $0x10, s28;
	vm0 =	vmand vm0, vm1;
	s30 =	sand.u32 $0x3C00, s26;
	vm1 =	vmand vm3, vm2;
	(pc) =	sbr.rel @p1 .LBB2_3-.Ltmp0, $4  }
0x23: {  	s29 =	sor.u32 s29, s30;
	v8 =	vand.u32 $0x7FFFFFFF, v6;
	vm0 =	vmor vm0, vm1  }
0x24: {  	v9 =	vperm.xlane v8, v0;
	v10 =	vperm.xlane v8, v1;
	v11 =	vnsel vm0, $0x0, v5;
	v5 =	vmovc v6;
	v6 =	vld [tilespmem:s29+$0x0]  }
0x25: {  	v12 =	vadd.s32 v2, v8;
	v7 =	vadd.s32 v3, v8;
	v8 =	vperm.xlane v8, v4;
	[tilespmem:s24+$0x8000] =	vst v11;
	s24 =	smov.u32 s25;
	s25 =	smov.u32 s29  }
0x26: {  	vm0 =	vlt.s32 v9, v12;
	vm1 =	vlt.s32 v10, v7  }
0x27: {  	_ =	sdelay $0x1  }
0x28: {  	vm2 =	vlt.s32 v8, v7;
	v7 =	vand.u32 $0x7FFFFFFF, v6  }
0x29: {  	vm3 =	vmor vm0, vm1;
	v8 =	vperm.xlane v7, v0;
	v9 =	vperm.xlane v7, v1  }
0x2a: {  	v10 =	vadd.s32 v2, v7;
	v11 =	vadd.s32 v3, v7;
	v7 =	vperm.xlane v7, v4  }
0x2b: {  	vm0 =	vmand vm0, vm1;
	vm1 =	vlt.s32 v8, v10;
	vm4 =	vlt.s32 v9, v11  }
0x2c: {  	vm2 =	vmand vm3, vm2;
	vm3 =	vlt.s32 v7, v11;
	vm5 =	vmor vm1, vm4  }
0x2d: {  	vm0 =	vmor vm0, vm2;
	vm1 =	vmand vm1, vm4;
	vm2 =	vmand vm5, vm3  }
0x2e: {  	v5 =	vnsel vm0, $0x0, v5;
	vm0 =	vmor vm1, vm2  }
0x2f: {  	[tilespmem:s24+$0x8000] =	vst v5;
	v5 =	vnsel vm0, $0x0, v6  }
0x30: {  	s21 =	sor.u32 s22, s21;
	[tilespmem:s25+$0x8000] =	vst v5  }
0x31: {  	v5 =	vld [tilespmem:s21+$0x80];
	_ =	sdelay $0x2  }
0x32: {  	s24 =	simm.s32 $0x80  }
0x33: {  	s31 =	sand.u32 $0x3C00, s24  }
0x34: {  	s22 =	sor.u32 s31, s23;
	v8 =	vand.u32 $0x7FFFFFFF, v5  }
0x35: {  	v6 =	vld [tilespmem:s22+$0x80];
	v9 =	vperm.xlane v8, v0;
	v10 =	vperm.xlane v8, v1  }
0x36: {  	v11 =	vadd.s32 v2, v8;
	v7 =	vadd.s32 v3, v8;
	v8 =	vperm.xlane v8, v4  }
0x37: {  	s23 =	simm.s32 $0x20;
	vm0 =	vlt.s32 v9, v11;
	vm1 =	vlt.s32 v10, v7  }
.LBB2_5:
0x38: {  	s25 =	sand.u32 $0x70, s23;
	s24 =	sadd.s32 $0x80, s24;
	vm2 =	vlt.s32 v8, v7;
	vm3 =	vmor vm0, vm1;
	p1 =	sne.s32 s23, $0x7F0  }
.Ltmp1:
0x39: {  	s23 =	sadd.s32 $0x10, s23;
	vm0 =	vmand vm0, vm1;
	s26 =	sand.u32 $0x3C00, s24;
	vm1 =	vmand vm3, vm2;
	(pc) =	sbr.rel @p1 .LBB2_5-.Ltmp1, $4  }
0x3a: {  	s25 =	sor.u32 s26, s25;
	v8 =	vand.u32 $0x7FFFFFFF, v6;
	vm0 =	vmor vm0, vm1  }
0x3b: {  	v9 =	vperm.xlane v8, v0;
	v10 =	vperm.xlane v8, v1;
	v11 =	vnsel vm0, $0x0, v5;
	v5 =	vmovc v6;
	v6 =	vld [tilespmem:s25+$0x80]  }
0x3c: {  	v12 =	vadd.s32 v2, v8;
	v7 =	vadd.s32 v3, v8;
	v8 =	vperm.xlane v8, v4;
	[tilespmem:s21+$0x8080] =	vst v11;
	s21 =	smov.u32 s22;
	s22 =	smov.u32 s25  }
0x3d: {  	vm0 =	vlt.s32 v9, v12;
	vm1 =	vlt.s32 v10, v7  }
0x3e: {  	_ =	sdelay $0x1  }
0x3f: {  	vm2 =	vlt.s32 v8, v7;
	v7 =	vand.u32 $0x7FFFFFFF, v6  }
0x40: {  	vm3 =	vmor vm0, vm1;
	v8 =	vperm.xlane v7, v0;
	v9 =	vperm.xlane v7, v1  }
0x41: {  	v10 =	vadd.s32 v2, v7;
	v11 =	vadd.s32 v3, v7;
	v7 =	vperm.xlane v7, v4  }
0x42: {  	vm0 =	vmand vm0, vm1;
	vm1 =	vlt.s32 v8, v10;
	vm4 =	vlt.s32 v9, v11  }
0x43: {  	vm2 =	vmand vm3, vm2;
	vm3 =	vlt.s32 v7, v11;
	vm5 =	vmor vm1, vm4  }
0x44: {  	vm0 =	vmor vm0, vm2;
	vm1 =	vmand vm1, vm4;
	vm2 =	vmand vm5, vm3  }
0x45: {  	s23 =	simm.s32 $0x0;
	v5 =	vnsel vm0, $0x0, v5;
	vm0 =	vmor vm1, vm2  }
0x46: {  	s29 =	sand.u32 $0x70, s23;
	s23 =	sand.u32 $0x3C00, s23;
	[tilespmem:s21+$0x8080] =	vst v5;
	v5 =	vnsel vm0, $0x0, v6  }
0x47: {  	s21 =	sor.u32 s23, s29;
	[tilespmem:s22+$0x8080] =	vst v5  }
0x48: {  	v5 =	vld [tilespmem:s21+$0x100];
	_ =	sdelay $0x2  }
0x49: {  	s30 =	simm.s32 $0x10;
	s25 =	simm.s32 $0x80  }
0x4a: {  	s31 =	sand.u32 $0x3C00, s25;
	s22 =	sand.u32 $0x70, s30  }
0x4b: {  	s23 =	sor.u32 s31, s22;
	v8 =	vand.u32 $0x7FFFFFFF, v5  }
0x4c: {  	v6 =	vld [tilespmem:s23+$0x100];
	v9 =	vperm.xlane v8, v0;
	v10 =	vperm.xlane v8, v1  }
0x4d: {  	v11 =	vadd.s32 v2, v8;
	v7 =	vadd.s32 v3, v8;
	v8 =	vperm.xlane v8, v4  }
0x4e: {  	s26 =	simm.s32 $0x20;
	s24 =	smov.u32 s21;
	vm0 =	vlt.s32 v9, v11;
	vm1 =	vlt.s32 v10, v7  }
.LBB2_7:
0x4f: {  	s28 =	sand.u32 $0x70, s26;
	s25 =	sadd.s32 $0x80, s25;
	vm2 =	vlt.s32 v8, v7;
	vm3 =	vmor vm0, vm1;
	p1 =	sne.s32 s26, $0x7F0  }
.Ltmp2:
0x50: {  	s26 =	sadd.s32 $0x10, s26;
	vm0 =	vmand vm0, vm1;
	s29 =	sand.u32 $0x3C00, s25;
	vm1 =	vmand vm3, vm2;
	(pc) =	sbr.rel @p1 .LBB2_7-.Ltmp2, $4  }
0x51: {  	s28 =	sor.u32 s29, s28;
	v8 =	vand.u32 $0x7FFFFFFF, v6;
	vm0 =	vmor vm0, vm1  }
0x52: {  	v9 =	vperm.xlane v8, v0;
	v10 =	vperm.xlane v8, v1;
	v11 =	vnsel vm0, $0x0, v5;
	v5 =	vmovc v6;
	v6 =	vld [tilespmem:s28+$0x100]  }
0x53: {  	v12 =	vadd.s32 v2, v8;
	v7 =	vadd.s32 v3, v8;
	v8 =	vperm.xlane v8, v4;
	[tilespmem:s24+$0x8100] =	vst v11;
	s24 =	smov.u32 s23;
	s23 =	smov.u32 s28  }
0x54: {  	vm0 =	vlt.s32 v9, v12;
	vm1 =	vlt.s32 v10, v7  }
0x55: {  	_ =	sdelay $0x1  }
0x56: {  	vm2 =	vlt.s32 v8, v7;
	v7 =	vand.u32 $0x7FFFFFFF, v6  }
0x57: {  	vm3 =	vmor vm0, vm1;
	v8 =	vperm.xlane v7, v0;
	v9 =	vperm.xlane v7, v1  }
0x58: {  	v10 =	vadd.s32 v2, v7;
	v11 =	vadd.s32 v3, v7;
	v7 =	vperm.xlane v7, v4  }
0x59: {  	vm0 =	vmand vm0, vm1;
	vm1 =	vlt.s32 v8, v10;
	vm4 =	vlt.s32 v9, v11  }
0x5a: {  	vm2 =	vmand vm3, vm2;
	vm3 =	vlt.s32 v7, v11;
	vm5 =	vmor vm1, vm4  }
0x5b: {  	vm0 =	vmor vm0, vm2;
	vm1 =	vmand vm1, vm4;
	vm2 =	vmand vm5, vm3  }
0x5c: {  	v5 =	vnsel vm0, $0x0, v5;
	vm0 =	vmor vm1, vm2  }
0x5d: {  	[tilespmem:s24+$0x8100] =	vst v5;
	v5 =	vnsel vm0, $0x0, v6  }
0x5e: {  	[tilespmem:s23+$0x8100] =	vst v5  }
0x5f: {  	v5 =	vld [tilespmem:s21+$0x180];
	_ =	sdelay $0x2  }
0x60: {  	s23 =	simm.s32 $0x80  }
0x61: {  	s31 =	sand.u32 $0x3C00, s23  }
0x62: {  	s22 =	sor.u32 s31, s22;
	v8 =	vand.u32 $0x7FFFFFFF, v5  }
0x63: {  	v6 =	vld [tilespmem:s22+$0x180];
	v9 =	vperm.xlane v8, v0;
	v10 =	vperm.xlane v8, v1  }
0x64: {  	v11 =	vadd.s32 v2, v8;
	v7 =	vadd.s32 v3, v8;
	v8 =	vperm.xlane v8, v4  }
0x65: {  	s24 =	simm.s32 $0x20;
	vm0 =	vlt.s32 v9, v11;
	vm1 =	vlt.s32 v10, v7  }
.LBB2_9:
0x66: {  	s25 =	sand.u32 $0x70, s24;
	s23 =	sadd.s32 $0x80, s23;
	vm2 =	vlt.s32 v8, v7;
	vm3 =	vmor vm0, vm1;
	p1 =	sne.s32 s24, $0x7F0  }
.Ltmp3:
0x67: {  	s24 =	sadd.s32 $0x10, s24;
	vm0 =	vmand vm0, vm1;
	s26 =	sand.u32 $0x3C00, s23;
	vm1 =	vmand vm3, vm2;
	(pc) =	sbr.rel @p1 .LBB2_9-.Ltmp3, $4  }
0x68: {  	s25 =	sor.u32 s26, s25;
	v8 =	vand.u32 $0x7FFFFFFF, v6;
	vm0 =	vmor vm0, vm1  }
0x69: {  	v9 =	vperm.xlane v8, v0;
	v10 =	vperm.xlane v8, v1;
	v11 =	vnsel vm0, $0x0, v5;
	v5 =	vmovc v6;
	v6 =	vld [tilespmem:s25+$0x180]  }
0x6a: {  	v12 =	vadd.s32 v2, v8;
	v7 =	vadd.s32 v3, v8;
	v8 =	vperm.xlane v8, v4;
	[tilespmem:s21+$0x8180] =	vst v11;
	s21 =	smov.u32 s22;
	s22 =	smov.u32 s25  }
0x6b: {  	vm0 =	vlt.s32 v9, v12;
	vm1 =	vlt.s32 v10, v7  }
0x6c: {  	_ =	sdelay $0x1  }
0x6d: {  	vm2 =	vlt.s32 v8, v7;
	v7 =	vand.u32 $0x7FFFFFFF, v6  }
0x6e: {  	vm3 =	vmor vm0, vm1;
	v8 =	vperm.xlane v7, v0;
	v9 =	vperm.xlane v7, v1  }
0x6f: {  	v10 =	vadd.s32 v2, v7;
	v11 =	vadd.s32 v3, v7;
	v7 =	vperm.xlane v7, v4  }
0x70: {  	vm0 =	vmand vm0, vm1;
	vm1 =	vlt.s32 v8, v10;
	vm4 =	vlt.s32 v9, v11  }
0x71: {  	vm2 =	vmand vm3, vm2;
	vm3 =	vlt.s32 v7, v11;
	vm5 =	vmor vm1, vm4  }
0x72: {  	vm0 =	vmor vm0, vm2;
	vm1 =	vmand vm1, vm4;
	vm2 =	vmand vm5, vm3  }
0x73: {  	s23 =	simm.s32 $0x0;
	v5 =	vnsel vm0, $0x0, v5;
	vm0 =	vmor vm1, vm2  }
0x74: {  	s29 =	sand.u32 $0x70, s23;
	s23 =	sand.u32 $0x3C00, s23;
	[tilespmem:s21+$0x8180] =	vst v5;
	v5 =	vnsel vm0, $0x0, v6  }
0x75: {  	s21 =	sor.u32 s23, s29;
	[tilespmem:s22+$0x8180] =	vst v5  }
0x76: {  	v5 =	vld [tilespmem:s21+$0x200];
	_ =	sdelay $0x2  }
0x77: {  	s30 =	simm.s32 $0x10;
	s25 =	simm.s32 $0x80  }
0x78: {  	s31 =	sand.u32 $0x3C00, s25;
	s22 =	sand.u32 $0x70, s30  }
0x79: {  	s23 =	sor.u32 s31, s22;
	v8 =	vand.u32 $0x7FFFFFFF, v5  }
0x7a: {  	v6 =	vld [tilespmem:s23+$0x200];
	v9 =	vperm.xlane v8, v0;
	v10 =	vperm.xlane v8, v1  }
0x7b: {  	v11 =	vadd.s32 v2, v8;
	v7 =	vadd.s32 v3, v8;
	v8 =	vperm.xlane v8, v4  }
0x7c: {  	s26 =	simm.s32 $0x20;
	s24 =	smov.u32 s21;
	vm0 =	vlt.s32 v9, v11;
	vm1 =	vlt.s32 v10, v7  }
.LBB2_11:
0x7d: {  	s28 =	sand.u32 $0x70, s26;
	s25 =	sadd.s32 $0x80, s25;
	vm2 =	vlt.s32 v8, v7;
	vm3 =	vmor vm0, vm1;
	p1 =	sne.s32 s26, $0x7F0  }
.Ltmp4:
0x7e: {  	s26 =	sadd.s32 $0x10, s26;
	vm0 =	vmand vm0, vm1;
	s29 =	sand.u32 $0x3C00, s25;
	vm1 =	vmand vm3, vm2;
	(pc) =	sbr.rel @p1 .LBB2_11-.Ltmp4, $4  }
0x7f: {  	s28 =	sor.u32 s29, s28;
	v8 =	vand.u32 $0x7FFFFFFF, v6;
	vm0 =	vmor vm0, vm1  }
0x80: {  	v9 =	vperm.xlane v8, v0;
	v10 =	vperm.xlane v8, v1;
	v11 =	vnsel vm0, $0x0, v5;
	v5 =	vmovc v6;
	v6 =	vld [tilespmem:s28+$0x200]  }
0x81: {  	v12 =	vadd.s32 v2, v8;
	v7 =	vadd.s32 v3, v8;
	v8 =	vperm.xlane v8, v4;
	[tilespmem:s24+$0x8200] =	vst v11;
	s24 =	smov.u32 s23;
	s23 =	smov.u32 s28  }
0x82: {  	vm0 =	vlt.s32 v9, v12;
	vm1 =	vlt.s32 v10, v7  }
0x83: {  	_ =	sdelay $0x1  }
0x84: {  	vm2 =	vlt.s32 v8, v7;
	v7 =	vand.u32 $0x7FFFFFFF, v6  }
0x85: {  	vm3 =	vmor vm0, vm1;
	v8 =	vperm.xlane v7, v0;
	v9 =	vperm.xlane v7, v1  }
0x86: {  	v10 =	vadd.s32 v2, v7;
	v11 =	vadd.s32 v3, v7;
	v7 =	vperm.xlane v7, v4  }
0x87: {  	vm0 =	vmand vm0, vm1;
	vm1 =	vlt.s32 v8, v10;
	vm4 =	vlt.s32 v9, v11  }
0x88: {  	vm2 =	vmand vm3, vm2;
	vm3 =	vlt.s32 v7, v11;
	vm5 =	vmor vm1, vm4  }
0x89: {  	vm0 =	vmor vm0, vm2;
	vm1 =	vmand vm1, vm4;
	vm2 =	vmand vm5, vm3  }
0x8a: {  	v5 =	vnsel vm0, $0x0, v5;
	vm0 =	vmor vm1, vm2  }
0x8b: {  	[tilespmem:s24+$0x8200] =	vst v5;
	v5 =	vnsel vm0, $0x0, v6  }
0x8c: {  	[tilespmem:s23+$0x8200] =	vst v5  }
0x8d: {  	v5 =	vld [tilespmem:s21+$0x280];
	_ =	sdelay $0x2  }
0x8e: {  	s24 =	simm.s32 $0x80  }
0x8f: {  	s31 =	sand.u32 $0x3C00, s24  }
0x90: {  	s23 =	sor.u32 s31, s22;
	v8 =	vand.u32 $0x7FFFFFFF, v5  }
0x91: {  	v6 =	vld [tilespmem:s23+$0x280];
	v9 =	vperm.xlane v8, v0;
	v10 =	vperm.xlane v8, v1  }
0x92: {  	v11 =	vadd.s32 v2, v8;
	v7 =	vadd.s32 v3, v8;
	v8 =	vperm.xlane v8, v4  }
0x93: {  	s22 =	simm.s32 $0x20;
	vm0 =	vlt.s32 v9, v11;
	vm1 =	vlt.s32 v10, v7  }
.LBB2_13:
0x94: {  	s25 =	sand.u32 $0x70, s22;
	s24 =	sadd.s32 $0x80, s24;
	vm2 =	vlt.s32 v8, v7;
	vm3 =	vmor vm0, vm1;
	p1 =	sne.s32 s22, $0x7F0  }
.Ltmp5:
0x95: {  	s22 =	sadd.s32 $0x10, s22;
	vm0 =	vmand vm0, vm1;
	s26 =	sand.u32 $0x3C00, s24;
	vm1 =	vmand vm3, vm2;
	(pc) =	sbr.rel @p1 .LBB2_13-.Ltmp5, $4  }
0x96: {  	s25 =	sor.u32 s26, s25;
	v8 =	vand.u32 $0x7FFFFFFF, v6;
	vm0 =	vmor vm0, vm1  }
0x97: {  	v9 =	vperm.xlane v8, v0;
	v10 =	vperm.xlane v8, v1;
	v11 =	vnsel vm0, $0x0, v5;
	v5 =	vmovc v6;
	v6 =	vld [tilespmem:s25+$0x280]  }
0x98: {  	v12 =	vadd.s32 v2, v8;
	v7 =	vadd.s32 v3, v8;
	v8 =	vperm.xlane v8, v4;
	[tilespmem:s21+$0x8280] =	vst v11;
	s21 =	smov.u32 s23;
	s23 =	smov.u32 s25  }
0x99: {  	vm0 =	vlt.s32 v9, v12;
	vm1 =	vlt.s32 v10, v7  }
0x9a: {  	_ =	sdelay $0x1  }
0x9b: {  	vm2 =	vlt.s32 v8, v7;
	v7 =	vand.u32 $0x7FFFFFFF, v6  }
0x9c: {  	vm3 =	vmor vm0, vm1;
	v8 =	vperm.xlane v7, v0;
	v9 =	vperm.xlane v7, v1  }
0x9d: {  	v10 =	vadd.s32 v2, v7;
	v11 =	vadd.s32 v3, v7;
	v7 =	vperm.xlane v7, v4  }
0x9e: {  	vm0 =	vmand vm0, vm1;
	vm1 =	vlt.s32 v8, v10;
	vm4 =	vlt.s32 v9, v11  }
0x9f: {  	vm2 =	vmand vm3, vm2;
	vm3 =	vlt.s32 v7, v11;
	vm5 =	vmor vm1, vm4  }
0xa0: {  	vm0 =	vmor vm0, vm2;
	vm1 =	vmand vm1, vm4;
	vm2 =	vmand vm5, vm3  }
0xa1: {  	s22 =	simm.s32 $0x0;
	v5 =	vnsel vm0, $0x0, v5;
	vm0 =	vmor vm1, vm2  }
0xa2: {  	s30 =	sand.u32 $0x70, s22;
	s24 =	sand.u32 $0x3C00, s22;
	[tilespmem:s21+$0x8280] =	vst v5;
	v5 =	vnsel vm0, $0x0, v6  }
0xa3: {  	s21 =	sor.u32 s24, s30;
	[tilespmem:s23+$0x8280] =	vst v5  }
0xa4: {  	v5 =	vld [tilespmem:s21+$0x300];
	_ =	sdelay $0x2  }
0xa5: {  	s31 =	simm.s32 $0x10;
	s24 =	simm.s32 $0x80  }
0xa6: {  	s25 =	sand.u32 $0x3C00, s24;
	s23 =	sand.u32 $0x70, s31  }
0xa7: {  	s23 =	sor.u32 s25, s23;
	v8 =	vand.u32 $0x7FFFFFFF, v5  }
0xa8: {  	v6 =	vld [tilespmem:s23+$0x300];
	v9 =	vperm.xlane v8, v0;
	v10 =	vperm.xlane v8, v1  }
0xa9: {  	v11 =	vadd.s32 v2, v8;
	v7 =	vadd.s32 v3, v8;
	v8 =	vperm.xlane v8, v4  }
0xaa: {  	s25 =	simm.s32 $0x20;
	vm0 =	vlt.s32 v9, v11;
	vm1 =	vlt.s32 v10, v7  }
.LBB2_15:
0xab: {  	s26 =	sand.u32 $0x70, s25;
	s24 =	sadd.s32 $0x80, s24;
	vm2 =	vlt.s32 v8, v7;
	vm3 =	vmor vm0, vm1;
	p1 =	sne.s32 s25, $0x7F0  }
.Ltmp6:
0xac: {  	s25 =	sadd.s32 $0x10, s25;
	vm0 =	vmand vm0, vm1;
	s28 =	sand.u32 $0x3C00, s24;
	vm1 =	vmand vm3, vm2;
	(pc) =	sbr.rel @p1 .LBB2_15-.Ltmp6, $4  }
0xad: {  	s26 =	sor.u32 s28, s26;
	v8 =	vand.u32 $0x7FFFFFFF, v6;
	vm0 =	vmor vm0, vm1  }
0xae: {  	v9 =	vperm.xlane v8, v0;
	v10 =	vperm.xlane v8, v1;
	v11 =	vnsel vm0, $0x0, v5;
	v5 =	vmovc v6;
	v6 =	vld [tilespmem:s26+$0x300]  }
0xaf: {  	v12 =	vadd.s32 v2, v8;
	v7 =	vadd.s32 v3, v8;
	v8 =	vperm.xlane v8, v4;
	[tilespmem:s21+$0x8300] =	vst v11;
	s21 =	smov.u32 s23;
	s23 =	smov.u32 s26  }
0xb0: {  	vm0 =	vlt.s32 v9, v12;
	vm1 =	vlt.s32 v10, v7  }
0xb1: {  	_ =	sdelay $0x1  }
0xb2: {  	vm2 =	vlt.s32 v8, v7;
	v7 =	vand.u32 $0x7FFFFFFF, v6  }
0xb3: {  	vm3 =	vmor vm0, vm1;
	v8 =	vperm.xlane v7, v0;
	v9 =	vperm.xlane v7, v1  }
0xb4: {  	v10 =	vadd.s32 v2, v7;
	v11 =	vadd.s32 v3, v7;
	v7 =	vperm.xlane v7, v4  }
0xb5: {  	vm11 =	vmand vm0, vm1;
	vm12 =	vlt.s32 v8, v10;
	vm4 =	vlt.s32 v9, v11  }
0xb6: {  	vm2 =	vmand vm3, vm2;
	vm13 =	vlt.s32 v7, v11;
	vm5 =	vmor vm12, vm4  }
0xb7: {  	s22 =	sand.u32 $0x7, s22;
	vm0 =	vmor vm11, vm2;
	vm1 =	vmand vm12, vm4;
	vm14 =	vmand vm5, vm13  }
0xb8: {  	s22 =	sshll.u32 s22, $0x4;
	v5 =	vnsel vm0, $0x0, v5;
	vm15 =	vmor vm1, vm14  }
0xb9: {  	s30 =	sadd.s32 $0x0, s22;
	[tilespmem:s21+$0x8300] =	vst v5;
	v5 =	vnsel vm15, $0x0, v6  }
0xba: {  	s21 =	sor.u32 $0x380, s30;
	[tilespmem:s23+$0x8300] =	vst v5  }
0xbb: {  	v5 =	vld [tilespmem:s21+$0x0]  }
0xbc: {  	s31 =	simm.s32 $0x1  }
0xbd: {  	s22 =	sand.u32 $0x7, s31  }
0xbe: {  	s22 =	sshll.u32 s22, $0x4  }
0xbf: {  	s22 =	sadd.s32 $0x80, s22  }
0xc0: {  	s22 =	sor.u32 $0x380, s22;
	v10 =	vand.u32 $0x7FFFFFFF, v5  }
0xc1: {  	v6 =	vld [tilespmem:s22+$0x0];
	v7 =	vperm.xlane v10, v0;
	v8 =	vperm.xlane v10, v1  }
0xc2: {  	s24 =	simm.s32 $0x80;
	s25 =	simm.s32 $0x2;
	s23 =	simm.s32 $0x20;
	v11 =	vadd.s32 v2, v10;
	v9 =	vadd.s32 v3, v10;
	v10 =	vperm.xlane v10, v4  }
.LBB2_17:
0xc3: {  	s26 =	sand.u32 $0x7, s25;
	p1 =	sne.s32 s23, $0x7F0;
	s23 =	sadd.s32 $0x10, s23;
	vm0 =	vlt.s32 v7, v11;
	vm1 =	vlt.s32 v8, v9  }
.Ltmp7:
0xc4: {  	s24 =	sadd.s32 $0x80, s24;
	s26 =	sshll.u32 s26, $0x4;
	vm2 =	vlt.s32 v10, v9;
	vm3 =	vmor vm0, vm1;
	(pc) =	sbr.rel @p1 .LBB2_17-.Ltmp7, $4  }
0xc5: {  	vm0 =	vmand vm0, vm1;
	s26 =	sadd.s32 s26, s24;
	vm1 =	vmand vm3, vm2  }
0xc6: {  	s26 =	sor.u32 $0x380, s26;
	v10 =	vand.u32 $0x7FFFFFFF, v6;
	vm0 =	vmor vm0, vm1  }
0xc7: {  	v7 =	vperm.xlane v10, v0;
	v8 =	vperm.xlane v10, v1;
	v12 =	vnsel vm0, $0x0, v5;
	v5 =	vmovc v6;
	v6 =	vld [tilespmem:s26+$0x0]  }
0xc8: {  	s25 =	sadd.s32 $0x1, s25;
	v11 =	vadd.s32 v2, v10;
	v9 =	vadd.s32 v3, v10;
	v10 =	vperm.xlane v10, v4;
	[tilespmem:s21+$0x8000] =	vst v12;
	s21 =	smov.u32 s22;
	s22 =	smov.u32 s26  }
0xc9: {  	_ =	sdelay $0x1  }
0xca: {  	vm0 =	vlt.s32 v7, v11  }
0xcb: {  	vm1 =	vlt.s32 v8, v9;
	vm2 =	vlt.s32 v10, v9;
	v7 =	vand.u32 $0x7FFFFFFF, v6  }
0xcc: {  	vm3 =	vmor vm0, vm1;
	v60 =	vperm.xlane v7, v0;
	v61 =	vperm.xlane v7, v1  }
0xcd: {  	v62 =	vadd.s32 v2, v7;
	v63 =	vadd.s32 v3, v7;
	v7 =	vperm.xlane v7, v4  }
0xce: {  	vm0 =	vmand vm0, vm1;
	vm12 =	vlt.s32 v60, v62;
	vm4 =	vlt.s32 v61, v63  }
0xcf: {  	p1 =	sne.s32 s16, $0xF;
	vm2 =	vmand vm3, vm2;
	vm13 =	vlt.s32 v7, v63;
	vm5 =	vmor vm12, vm4  }
.Ltmp8:
0xd0: {  	vm0 =	vmor vm0, vm2;
	vm1 =	vmand vm12, vm4;
	vm14 =	vmand vm5, vm13;
	(pc) =	sbr.rel @p1 .LBB2_20-.Ltmp8, $4  }
0xd1: {  	v5 =	vnsel vm0, $0x0, v5;
	vm15 =	vmor vm1, vm14  }
0xd2: {  	s19 =	sadd.s32 s3, s19;
	[tilespmem:s21+$0x8000] =	vst v5;
	v5 =	vnsel vm15, $0x0, v6  }
0xd3: {  	s18 =	sadd.s32 s18, s19;
	[tilespmem:s22+$0x8000] =	vst v5  }
0xd4: {  	[hbm4b:s18+s4] =	stream.linear.scatter [tilespmem:s10], [sflag:$0x3], $0x4000, $0x38;
	[tilespmem:$0x10000] =	vst v63  }
.Ltmp9:
0xd5: {  	(pc) =	sbr.rel .LBB2_21-.Ltmp9, $4  }
0xd6: {  	_ = 	snop  }
0xd7: {  	_ =	swait.ge [sflag:s11], $0x4000  }
0xd8: {  	[sflag:s11] =	ssyncset.done $0x0  }
0xd9: {  	[sflag:s11] =	ssyncadd.s32 $0xFFFFC000  }
.LBB2_20:
0xda: {  	s18 =	sadd.s32 $0x2, s20  }
0xdb: {  	s19 =	sshrl.u32 s18, $0x2;
	s18 =	sshll.u32 s18, $0xB  }
0xdc: {  	s19 =	sadd.s32 s6, s19;
	s18 =	sand.u32 $0x1000, s18  }
0xdd: {  	s19 =	sshll.u32 s19, $0xD;
	s18 =	sadd.s32 s1, s18  }
.Ltmp10:
0xde: {  	s18 =	sadd.s32 s19, s18;
	(pc) =	sbr.rel @p0 .LBB2_22-.Ltmp10, $4  }
0xdf: {  	[tilespmem:s4], [sflag:$0x1] =	stream.linear.gather [hbm4b:s18+s4], $0x4000, $0x38;
	[tilespmem:$0x10000] =	vst v63  }
0xe0: {  	_ =	swait.ge [sflag:s11], $0x4000  }
0xe1: {  	[sflag:s11] =	ssyncset.done $0x0  }
0xe2: {  	[sflag:s11] =	ssyncadd.s32 $0xFFFFC000  }
.LBB2_21:
0xe3: {  	_ =	swait.ge [sflag:s12], $0x4000  }
0xe4: {  	[sflag:s12] =	ssyncset.done $0x0  }
0xe5: {  	[sflag:s12] =	ssyncadd.s32 $0xFFFFC000  }
.LBB2_22:
0xe6: {  	s19 =	simm.s32 $0x0  }
0xe7: {  	s18 =	sand.u32 $0x70, s19;
	s20 =	sand.u32 $0x3C00, s19  }
0xe8: {  	s21 =	sor.u32 s18, s20  }
0xe9: {  	v5 =	vld [tilespmem:s21+$0x4000];
	_ =	sdelay $0x2  }
0xea: {  	s31 =	simm.s32 $0x10;
	s23 =	simm.s32 $0x80  }
0xeb: {  	s19 =	sand.u32 $0x70, s31;
	s22 =	sand.u32 $0x3C00, s23  }
0xec: {  	s22 =	sor.u32 s19, s22;
	v8 =	vand.u32 $0x7FFFFFFF, v5  }
0xed: {  	v6 =	vld [tilespmem:s22+$0x4000];
	v9 =	vperm.xlane v8, v0;
	v10 =	vperm.xlane v8, v1  }
0xee: {  	v11 =	vadd.s32 v2, v8;
	v7 =	vadd.s32 v3, v8;
	v8 =	vperm.xlane v8, v4  }
0xef: {  	s24 =	simm.s32 $0x20;
	vm0 =	vlt.s32 v9, v11;
	vm1 =	vlt.s32 v10, v7  }
.LBB2_23:
0xf0: {  	s25 =	sand.u32 $0x70, s24;
	s23 =	sadd.s32 $0x80, s23;
	vm2 =	vlt.s32 v8, v7;
	vm3 =	vmor vm0, vm1;
	p0 =	sne.s32 s24, $0x7F0  }
.Ltmp11:
0xf1: {  	s24 =	sadd.s32 $0x10, s24;
	vm0 =	vmand vm0, vm1;
	s26 =	sand.u32 $0x3C00, s23;
	vm1 =	vmand vm3, vm2;
	(pc) =	sbr.rel @p0 .LBB2_23-.Ltmp11, $4  }
0xf2: {  	s25 =	sor.u32 s25, s26;
	v8 =	vand.u32 $0x7FFFFFFF, v6;
	vm0 =	vmor vm0, vm1  }
0xf3: {  	v9 =	vperm.xlane v8, v0;
	v10 =	vperm.xlane v8, v1;
	v11 =	vnsel vm0, $0x0, v5;
	v5 =	vmovc v6;
	v6 =	vld [tilespmem:s25+$0x4000]  }
0xf4: {  	v12 =	vadd.s32 v2, v8;
	v7 =	vadd.s32 v3, v8;
	v8 =	vperm.xlane v8, v4;
	[tilespmem:s21+$0xC000] =	vst v11;
	s21 =	smov.u32 s22;
	s22 =	smov.u32 s25  }
0xf5: {  	vm0 =	vlt.s32 v9, v12;
	vm1 =	vlt.s32 v10, v7  }
0xf6: {  	_ =	sdelay $0x1  }
0xf7: {  	vm2 =	vlt.s32 v8, v7;
	v7 =	vand.u32 $0x7FFFFFFF, v6  }
0xf8: {  	vm3 =	vmor vm0, vm1;
	v8 =	vperm.xlane v7, v0;
	v9 =	vperm.xlane v7, v1  }
0xf9: {  	v10 =	vadd.s32 v2, v7;
	v11 =	vadd.s32 v3, v7;
	v7 =	vperm.xlane v7, v4  }
0xfa: {  	vm0 =	vmand vm0, vm1;
	vm1 =	vlt.s32 v8, v10;
	vm4 =	vlt.s32 v9, v11  }
0xfb: {  	vm2 =	vmand vm3, vm2;
	vm3 =	vlt.s32 v7, v11;
	vm5 =	vmor vm1, vm4  }
0xfc: {  	vm0 =	vmor vm0, vm2;
	vm1 =	vmand vm1, vm4;
	vm2 =	vmand vm5, vm3  }
0xfd: {  	v5 =	vnsel vm0, $0x0, v5;
	vm0 =	vmor vm1, vm2  }
0xfe: {  	[tilespmem:s21+$0xC000] =	vst v5;
	v5 =	vnsel vm0, $0x0, v6  }
0xff: {  	s18 =	sor.u32 s20, s18;
	[tilespmem:s22+$0xC000] =	vst v5  }
0x100: {  	v5 =	vld [tilespmem:s18+$0x4080];
	_ =	sdelay $0x2  }
0x101: {  	s20 =	simm.s32 $0x80  }
0x102: {  	s31 =	sand.u32 $0x3C00, s20  }
0x103: {  	s19 =	sor.u32 s31, s19;
	v8 =	vand.u32 $0x7FFFFFFF, v5  }
0x104: {  	v6 =	vld [tilespmem:s19+$0x4080];
	v9 =	vperm.xlane v8, v0;
	v10 =	vperm.xlane v8, v1  }
0x105: {  	v11 =	vadd.s32 v2, v8;
	v7 =	vadd.s32 v3, v8;
	v8 =	vperm.xlane v8, v4  }
0x106: {  	s21 =	simm.s32 $0x20;
	vm0 =	vlt.s32 v9, v11;
	vm1 =	vlt.s32 v10, v7  }
.LBB2_25:
0x107: {  	s22 =	sand.u32 $0x70, s21;
	s20 =	sadd.s32 $0x80, s20;
	vm2 =	vlt.s32 v8, v7;
	vm3 =	vmor vm0, vm1;
	p0 =	sne.s32 s21, $0x7F0  }
.Ltmp12:
0x108: {  	s21 =	sadd.s32 $0x10, s21;
	vm0 =	vmand vm0, vm1;
	s23 =	sand.u32 $0x3C00, s20;
	vm1 =	vmand vm3, vm2;
	(pc) =	sbr.rel @p0 .LBB2_25-.Ltmp12, $4  }
0x109: {  	s22 =	sor.u32 s23, s22;
	v8 =	vand.u32 $0x7FFFFFFF, v6;
	vm0 =	vmor vm0, vm1  }
0x10a: {  	v9 =	vperm.xlane v8, v0;
	v10 =	vperm.xlane v8, v1;
	v11 =	vnsel vm0, $0x0, v5;
	v5 =	vmovc v6;
	v6 =	vld [tilespmem:s22+$0x4080]  }
0x10b: {  	v12 =	vadd.s32 v2, v8;
	v7 =	vadd.s32 v3, v8;
	v8 =	vperm.xlane v8, v4;
	[tilespmem:s18+$0xC080] =	vst v11;
	s18 =	smov.u32 s19;
	s19 =	smov.u32 s22  }
0x10c: {  	vm0 =	vlt.s32 v9, v12;
	vm1 =	vlt.s32 v10, v7  }
0x10d: {  	_ =	sdelay $0x1  }
0x10e: {  	vm2 =	vlt.s32 v8, v7;
	v7 =	vand.u32 $0x7FFFFFFF, v6  }
0x10f: {  	vm3 =	vmor vm0, vm1;
	v8 =	vperm.xlane v7, v0;
	v9 =	vperm.xlane v7, v1  }
0x110: {  	v10 =	vadd.s32 v2, v7;
	v11 =	vadd.s32 v3, v7;
	v7 =	vperm.xlane v7, v4  }
0x111: {  	vm0 =	vmand vm0, vm1;
	vm1 =	vlt.s32 v8, v10;
	vm4 =	vlt.s32 v9, v11  }
0x112: {  	vm2 =	vmand vm3, vm2;
	vm3 =	vlt.s32 v7, v11;
	vm5 =	vmor vm1, vm4  }
0x113: {  	vm0 =	vmor vm0, vm2;
	vm1 =	vmand vm1, vm4;
	vm2 =	vmand vm5, vm3  }
0x114: {  	s20 =	simm.s32 $0x0;
	v5 =	vnsel vm0, $0x0, v5;
	vm0 =	vmor vm1, vm2  }
0x115: {  	s29 =	sand.u32 $0x70, s20;
	s20 =	sand.u32 $0x3C00, s20;
	[tilespmem:s18+$0xC080] =	vst v5;
	v5 =	vnsel vm0, $0x0, v6  }
0x116: {  	s18 =	sor.u32 s20, s29;
	[tilespmem:s19+$0xC080] =	vst v5  }
0x117: {  	v5 =	vld [tilespmem:s18+$0x4100];
	_ =	sdelay $0x2  }
0x118: {  	s30 =	simm.s32 $0x10;
	s22 =	simm.s32 $0x80  }
0x119: {  	s31 =	sand.u32 $0x3C00, s22;
	s19 =	sand.u32 $0x70, s30  }
0x11a: {  	s20 =	sor.u32 s31, s19;
	v8 =	vand.u32 $0x7FFFFFFF, v5  }
0x11b: {  	v6 =	vld [tilespmem:s20+$0x4100];
	v9 =	vperm.xlane v8, v0;
	v10 =	vperm.xlane v8, v1  }
0x11c: {  	v11 =	vadd.s32 v2, v8;
	v7 =	vadd.s32 v3, v8;
	v8 =	vperm.xlane v8, v4  }
0x11d: {  	s23 =	simm.s32 $0x20;
	s21 =	smov.u32 s18;
	vm0 =	vlt.s32 v9, v11;
	vm1 =	vlt.s32 v10, v7  }
.LBB2_27:
0x11e: {  	s24 =	sand.u32 $0x70, s23;
	s22 =	sadd.s32 $0x80, s22;
	vm2 =	vlt.s32 v8, v7;
	vm3 =	vmor vm0, vm1;
	p0 =	sne.s32 s23, $0x7F0  }
.Ltmp13:
0x11f: {  	s23 =	sadd.s32 $0x10, s23;
	vm0 =	vmand vm0, vm1;
	s25 =	sand.u32 $0x3C00, s22;
	vm1 =	vmand vm3, vm2;
	(pc) =	sbr.rel @p0 .LBB2_27-.Ltmp13, $4  }
0x120: {  	s24 =	sor.u32 s25, s24;
	v8 =	vand.u32 $0x7FFFFFFF, v6;
	vm0 =	vmor vm0, vm1  }
0x121: {  	v9 =	vperm.xlane v8, v0;
	v10 =	vperm.xlane v8, v1;
	v11 =	vnsel vm0, $0x0, v5;
	v5 =	vmovc v6;
	v6 =	vld [tilespmem:s24+$0x4100]  }
0x122: {  	v12 =	vadd.s32 v2, v8;
	v7 =	vadd.s32 v3, v8;
	v8 =	vperm.xlane v8, v4;
	[tilespmem:s21+$0xC100] =	vst v11;
	s21 =	smov.u32 s20;
	s20 =	smov.u32 s24  }
0x123: {  	vm0 =	vlt.s32 v9, v12;
	vm1 =	vlt.s32 v10, v7  }
0x124: {  	_ =	sdelay $0x1  }
0x125: {  	vm2 =	vlt.s32 v8, v7;
	v7 =	vand.u32 $0x7FFFFFFF, v6  }
0x126: {  	vm3 =	vmor vm0, vm1;
	v8 =	vperm.xlane v7, v0;
	v9 =	vperm.xlane v7, v1  }
0x127: {  	v10 =	vadd.s32 v2, v7;
	v11 =	vadd.s32 v3, v7;
	v7 =	vperm.xlane v7, v4  }
0x128: {  	vm0 =	vmand vm0, vm1;
	vm1 =	vlt.s32 v8, v10;
	vm4 =	vlt.s32 v9, v11  }
0x129: {  	vm2 =	vmand vm3, vm2;
	vm3 =	vlt.s32 v7, v11;
	vm5 =	vmor vm1, vm4  }
0x12a: {  	vm0 =	vmor vm0, vm2;
	vm1 =	vmand vm1, vm4;
	vm2 =	vmand vm5, vm3  }
0x12b: {  	v5 =	vnsel vm0, $0x0, v5;
	vm0 =	vmor vm1, vm2  }
0x12c: {  	[tilespmem:s21+$0xC100] =	vst v5;
	v5 =	vnsel vm0, $0x0, v6  }
0x12d: {  	[tilespmem:s20+$0xC100] =	vst v5  }
0x12e: {  	v5 =	vld [tilespmem:s18+$0x4180];
	_ =	sdelay $0x2  }
0x12f: {  	s20 =	simm.s32 $0x80  }
0x130: {  	s31 =	sand.u32 $0x3C00, s20  }
0x131: {  	s19 =	sor.u32 s31, s19;
	v8 =	vand.u32 $0x7FFFFFFF, v5  }
0x132: {  	v6 =	vld [tilespmem:s19+$0x4180];
	v9 =	vperm.xlane v8, v0;
	v10 =	vperm.xlane v8, v1  }
0x133: {  	v11 =	vadd.s32 v2, v8;
	v7 =	vadd.s32 v3, v8;
	v8 =	vperm.xlane v8, v4  }
0x134: {  	s21 =	simm.s32 $0x20;
	vm0 =	vlt.s32 v9, v11;
	vm1 =	vlt.s32 v10, v7  }
.LBB2_29:
0x135: {  	s22 =	sand.u32 $0x70, s21;
	s20 =	sadd.s32 $0x80, s20;
	vm2 =	vlt.s32 v8, v7;
	vm3 =	vmor vm0, vm1;
	p0 =	sne.s32 s21, $0x7F0  }
.Ltmp14:
0x136: {  	s21 =	sadd.s32 $0x10, s21;
	vm0 =	vmand vm0, vm1;
	s23 =	sand.u32 $0x3C00, s20;
	vm1 =	vmand vm3, vm2;
	(pc) =	sbr.rel @p0 .LBB2_29-.Ltmp14, $4  }
0x137: {  	s22 =	sor.u32 s23, s22;
	v8 =	vand.u32 $0x7FFFFFFF, v6;
	vm0 =	vmor vm0, vm1  }
0x138: {  	v9 =	vperm.xlane v8, v0;
	v10 =	vperm.xlane v8, v1;
	v11 =	vnsel vm0, $0x0, v5;
	v5 =	vmovc v6;
	v6 =	vld [tilespmem:s22+$0x4180]  }
0x139: {  	v12 =	vadd.s32 v2, v8;
	v7 =	vadd.s32 v3, v8;
	v8 =	vperm.xlane v8, v4;
	[tilespmem:s18+$0xC180] =	vst v11;
	s18 =	smov.u32 s19;
	s19 =	smov.u32 s22  }
0x13a: {  	vm0 =	vlt.s32 v9, v12;
	vm1 =	vlt.s32 v10, v7  }
0x13b: {  	_ =	sdelay $0x1  }
0x13c: {  	vm2 =	vlt.s32 v8, v7;
	v7 =	vand.u32 $0x7FFFFFFF, v6  }
0x13d: {  	vm3 =	vmor vm0, vm1;
	v8 =	vperm.xlane v7, v0;
	v9 =	vperm.xlane v7, v1  }
0x13e: {  	v10 =	vadd.s32 v2, v7;
	v11 =	vadd.s32 v3, v7;
	v7 =	vperm.xlane v7, v4  }
0x13f: {  	vm0 =	vmand vm0, vm1;
	vm1 =	vlt.s32 v8, v10;
	vm4 =	vlt.s32 v9, v11  }
0x140: {  	vm2 =	vmand vm3, vm2;
	vm3 =	vlt.s32 v7, v11;
	vm5 =	vmor vm1, vm4  }
0x141: {  	vm0 =	vmor vm0, vm2;
	vm1 =	vmand vm1, vm4;
	vm2 =	vmand vm5, vm3  }
0x142: {  	s20 =	simm.s32 $0x0;
	v5 =	vnsel vm0, $0x0, v5;
	vm0 =	vmor vm1, vm2  }
0x143: {  	s29 =	sand.u32 $0x70, s20;
	s20 =	sand.u32 $0x3C00, s20;
	[tilespmem:s18+$0xC180] =	vst v5;
	v5 =	vnsel vm0, $0x0, v6  }
0x144: {  	s18 =	sor.u32 s20, s29;
	[tilespmem:s19+$0xC180] =	vst v5  }
0x145: {  	v5 =	vld [tilespmem:s18+$0x4200];
	_ =	sdelay $0x2  }
0x146: {  	s30 =	simm.s32 $0x10;
	s22 =	simm.s32 $0x80  }
0x147: {  	s31 =	sand.u32 $0x3C00, s22;
	s19 =	sand.u32 $0x70, s30  }
0x148: {  	s20 =	sor.u32 s31, s19;
	v8 =	vand.u32 $0x7FFFFFFF, v5  }
0x149: {  	v6 =	vld [tilespmem:s20+$0x4200];
	v9 =	vperm.xlane v8, v0;
	v10 =	vperm.xlane v8, v1  }
0x14a: {  	v11 =	vadd.s32 v2, v8;
	v7 =	vadd.s32 v3, v8;
	v8 =	vperm.xlane v8, v4  }
0x14b: {  	s23 =	simm.s32 $0x20;
	s21 =	smov.u32 s18;
	vm0 =	vlt.s32 v9, v11;
	vm1 =	vlt.s32 v10, v7  }
.LBB2_31:
0x14c: {  	s24 =	sand.u32 $0x70, s23;
	s22 =	sadd.s32 $0x80, s22;
	vm2 =	vlt.s32 v8, v7;
	vm3 =	vmor vm0, vm1;
	p0 =	sne.s32 s23, $0x7F0  }
.Ltmp15:
0x14d: {  	s23 =	sadd.s32 $0x10, s23;
	vm0 =	vmand vm0, vm1;
	s25 =	sand.u32 $0x3C00, s22;
	vm1 =	vmand vm3, vm2;
	(pc) =	sbr.rel @p0 .LBB2_31-.Ltmp15, $4  }
0x14e: {  	s24 =	sor.u32 s25, s24;
	v8 =	vand.u32 $0x7FFFFFFF, v6;
	vm0 =	vmor vm0, vm1  }
0x14f: {  	v9 =	vperm.xlane v8, v0;
	v10 =	vperm.xlane v8, v1;
	v11 =	vnsel vm0, $0x0, v5;
	v5 =	vmovc v6;
	v6 =	vld [tilespmem:s24+$0x4200]  }
0x150: {  	v12 =	vadd.s32 v2, v8;
	v7 =	vadd.s32 v3, v8;
	v8 =	vperm.xlane v8, v4;
	[tilespmem:s21+$0xC200] =	vst v11;
	s21 =	smov.u32 s20;
	s20 =	smov.u32 s24  }
0x151: {  	vm0 =	vlt.s32 v9, v12;
	vm1 =	vlt.s32 v10, v7  }
0x152: {  	_ =	sdelay $0x1  }
0x153: {  	vm2 =	vlt.s32 v8, v7;
	v7 =	vand.u32 $0x7FFFFFFF, v6  }
0x154: {  	vm3 =	vmor vm0, vm1;
	v8 =	vperm.xlane v7, v0;
	v9 =	vperm.xlane v7, v1  }
0x155: {  	v10 =	vadd.s32 v2, v7;
	v11 =	vadd.s32 v3, v7;
	v7 =	vperm.xlane v7, v4  }
0x156: {  	vm0 =	vmand vm0, vm1;
	vm1 =	vlt.s32 v8, v10;
	vm4 =	vlt.s32 v9, v11  }
0x157: {  	vm2 =	vmand vm3, vm2;
	vm3 =	vlt.s32 v7, v11;
	vm5 =	vmor vm1, vm4  }
0x158: {  	vm0 =	vmor vm0, vm2;
	vm1 =	vmand vm1, vm4;
	vm2 =	vmand vm5, vm3  }
0x159: {  	v5 =	vnsel vm0, $0x0, v5;
	vm0 =	vmor vm1, vm2  }
0x15a: {  	[tilespmem:s21+$0xC200] =	vst v5;
	v5 =	vnsel vm0, $0x0, v6  }
0x15b: {  	[tilespmem:s20+$0xC200] =	vst v5  }
0x15c: {  	v5 =	vld [tilespmem:s18+$0x4280];
	_ =	sdelay $0x2  }
0x15d: {  	s21 =	simm.s32 $0x80  }
0x15e: {  	s31 =	sand.u32 $0x3C00, s21  }
0x15f: {  	s20 =	sor.u32 s31, s19;
	v8 =	vand.u32 $0x7FFFFFFF, v5  }
0x160: {  	v6 =	vld [tilespmem:s20+$0x4280];
	v9 =	vperm.xlane v8, v0;
	v10 =	vperm.xlane v8, v1  }
0x161: {  	v11 =	vadd.s32 v2, v8;
	v7 =	vadd.s32 v3, v8;
	v8 =	vperm.xlane v8, v4  }
0x162: {  	s19 =	simm.s32 $0x20;
	vm0 =	vlt.s32 v9, v11;
	vm1 =	vlt.s32 v10, v7  }
.LBB2_33:
0x163: {  	s22 =	sand.u32 $0x70, s19;
	s21 =	sadd.s32 $0x80, s21;
	vm2 =	vlt.s32 v8, v7;
	vm3 =	vmor vm0, vm1;
	p0 =	sne.s32 s19, $0x7F0  }
.Ltmp16:
0x164: {  	s19 =	sadd.s32 $0x10, s19;
	vm0 =	vmand vm0, vm1;
	s23 =	sand.u32 $0x3C00, s21;
	vm1 =	vmand vm3, vm2;
	(pc) =	sbr.rel @p0 .LBB2_33-.Ltmp16, $4  }
0x165: {  	s22 =	sor.u32 s23, s22;
	v8 =	vand.u32 $0x7FFFFFFF, v6;
	vm0 =	vmor vm0, vm1  }
0x166: {  	v9 =	vperm.xlane v8, v0;
	v10 =	vperm.xlane v8, v1;
	v11 =	vnsel vm0, $0x0, v5;
	v5 =	vmovc v6;
	v6 =	vld [tilespmem:s22+$0x4280]  }
0x167: {  	v12 =	vadd.s32 v2, v8;
	v7 =	vadd.s32 v3, v8;
	v8 =	vperm.xlane v8, v4;
	[tilespmem:s18+$0xC280] =	vst v11;
	s18 =	smov.u32 s20;
	s20 =	smov.u32 s22  }
0x168: {  	vm0 =	vlt.s32 v9, v12;
	vm1 =	vlt.s32 v10, v7  }
0x169: {  	_ =	sdelay $0x1  }
0x16a: {  	vm2 =	vlt.s32 v8, v7;
	v7 =	vand.u32 $0x7FFFFFFF, v6  }
0x16b: {  	vm3 =	vmor vm0, vm1;
	v8 =	vperm.xlane v7, v0;
	v9 =	vperm.xlane v7, v1  }
0x16c: {  	v10 =	vadd.s32 v2, v7;
	v11 =	vadd.s32 v3, v7;
	v7 =	vperm.xlane v7, v4  }
0x16d: {  	vm0 =	vmand vm0, vm1;
	vm1 =	vlt.s32 v8, v10;
	vm4 =	vlt.s32 v9, v11  }
0x16e: {  	vm2 =	vmand vm3, vm2;
	vm3 =	vlt.s32 v7, v11;
	vm5 =	vmor vm1, vm4  }
0x16f: {  	vm0 =	vmor vm0, vm2;
	vm1 =	vmand vm1, vm4;
	vm2 =	vmand vm5, vm3  }
0x170: {  	s19 =	simm.s32 $0x0;
	v5 =	vnsel vm0, $0x0, v5;
	vm0 =	vmor vm1, vm2  }
0x171: {  	s30 =	sand.u32 $0x70, s19;
	s21 =	sand.u32 $0x3C00, s19;
	[tilespmem:s18+$0xC280] =	vst v5;
	v5 =	vnsel vm0, $0x0, v6  }
0x172: {  	s18 =	sor.u32 s21, s30;
	[tilespmem:s20+$0xC280] =	vst v5  }
0x173: {  	v5 =	vld [tilespmem:s18+$0x4300];
	_ =	sdelay $0x2  }
0x174: {  	s31 =	simm.s32 $0x10;
	s21 =	simm.s32 $0x80  }
0x175: {  	s22 =	sand.u32 $0x3C00, s21;
	s20 =	sand.u32 $0x70, s31  }
0x176: {  	s20 =	sor.u32 s22, s20;
	v8 =	vand.u32 $0x7FFFFFFF, v5  }
0x177: {  	v6 =	vld [tilespmem:s20+$0x4300];
	v9 =	vperm.xlane v8, v0;
	v10 =	vperm.xlane v8, v1  }
0x178: {  	v11 =	vadd.s32 v2, v8;
	v7 =	vadd.s32 v3, v8;
	v8 =	vperm.xlane v8, v4  }
0x179: {  	s22 =	simm.s32 $0x20;
	vm0 =	vlt.s32 v9, v11;
	vm1 =	vlt.s32 v10, v7  }
.LBB2_35:
0x17a: {  	s23 =	sand.u32 $0x70, s22;
	s21 =	sadd.s32 $0x80, s21;
	vm2 =	vlt.s32 v8, v7;
	vm3 =	vmor vm0, vm1;
	p0 =	sne.s32 s22, $0x7F0  }
.Ltmp17:
0x17b: {  	s22 =	sadd.s32 $0x10, s22;
	vm0 =	vmand vm0, vm1;
	s24 =	sand.u32 $0x3C00, s21;
	vm1 =	vmand vm3, vm2;
	(pc) =	sbr.rel @p0 .LBB2_35-.Ltmp17, $4  }
0x17c: {  	s23 =	sor.u32 s24, s23;
	v8 =	vand.u32 $0x7FFFFFFF, v6;
	vm0 =	vmor vm0, vm1  }
0x17d: {  	v9 =	vperm.xlane v8, v0;
	v10 =	vperm.xlane v8, v1;
	v11 =	vnsel vm0, $0x0, v5;
	v5 =	vmovc v6;
	v6 =	vld [tilespmem:s23+$0x4300]  }
0x17e: {  	v12 =	vadd.s32 v2, v8;
	v7 =	vadd.s32 v3, v8;
	v8 =	vperm.xlane v8, v4;
	[tilespmem:s18+$0xC300] =	vst v11;
	s18 =	smov.u32 s20;
	s20 =	smov.u32 s23  }
0x17f: {  	vm0 =	vlt.s32 v9, v12;
	vm1 =	vlt.s32 v10, v7  }
0x180: {  	_ =	sdelay $0x1  }
0x181: {  	vm2 =	vlt.s32 v8, v7;
	v7 =	vand.u32 $0x7FFFFFFF, v6  }
0x182: {  	vm3 =	vmor vm0, vm1;
	v8 =	vperm.xlane v7, v0;
	v9 =	vperm.xlane v7, v1  }
0x183: {  	v10 =	vadd.s32 v2, v7;
	v11 =	vadd.s32 v3, v7;
	v7 =	vperm.xlane v7, v4  }
0x184: {  	vm11 =	vmand vm0, vm1;
	vm12 =	vlt.s32 v8, v10;
	vm4 =	vlt.s32 v9, v11  }
0x185: {  	vm2 =	vmand vm3, vm2;
	vm13 =	vlt.s32 v7, v11;
	vm5 =	vmor vm12, vm4  }
0x186: {  	s19 =	sand.u32 $0x7, s19;
	vm0 =	vmor vm11, vm2;
	vm1 =	vmand vm12, vm4;
	vm14 =	vmand vm5, vm13  }
0x187: {  	s19 =	sshll.u32 s19, $0x4;
	v5 =	vnsel vm0, $0x0, v5;
	vm15 =	vmor vm1, vm14  }
0x188: {  	s30 =	sadd.s32 $0x0, s19;
	[tilespmem:s18+$0xC300] =	vst v5;
	v5 =	vnsel vm15, $0x0, v6  }
0x189: {  	s18 =	sor.u32 $0x380, s30;
	[tilespmem:s20+$0xC300] =	vst v5  }
0x18a: {  	v5 =	vld [tilespmem:s18+$0x4000]  }
0x18b: {  	s31 =	simm.s32 $0x1  }
0x18c: {  	s19 =	sand.u32 $0x7, s31  }
0x18d: {  	s19 =	sshll.u32 s19, $0x4  }
0x18e: {  	s19 =	sadd.s32 $0x80, s19  }
0x18f: {  	s19 =	sor.u32 $0x380, s19;
	v10 =	vand.u32 $0x7FFFFFFF, v5  }
0x190: {  	v6 =	vld [tilespmem:s19+$0x4000];
	v7 =	vperm.xlane v10, v0;
	v8 =	vperm.xlane v10, v1  }
0x191: {  	s21 =	simm.s32 $0x80;
	s22 =	simm.s32 $0x2;
	s20 =	simm.s32 $0x20;
	v11 =	vadd.s32 v2, v10;
	v9 =	vadd.s32 v3, v10;
	v10 =	vperm.xlane v10, v4  }
.LBB2_37:
0x192: {  	s23 =	sand.u32 $0x7, s22;
	p0 =	sne.s32 s20, $0x7F0;
	s20 =	sadd.s32 $0x10, s20;
	vm0 =	vlt.s32 v7, v11;
	vm1 =	vlt.s32 v8, v9  }
.Ltmp18:
0x193: {  	s21 =	sadd.s32 $0x80, s21;
	s23 =	sshll.u32 s23, $0x4;
	vm2 =	vlt.s32 v10, v9;
	vm3 =	vmor vm0, vm1;
	(pc) =	sbr.rel @p0 .LBB2_37-.Ltmp18, $4  }
0x194: {  	vm0 =	vmand vm0, vm1;
	s23 =	sadd.s32 s23, s21;
	vm1 =	vmand vm3, vm2  }
0x195: {  	s23 =	sor.u32 $0x380, s23;
	v10 =	vand.u32 $0x7FFFFFFF, v6;
	vm0 =	vmor vm0, vm1  }
0x196: {  	v7 =	vperm.xlane v10, v0;
	v8 =	vperm.xlane v10, v1;
	v12 =	vnsel vm0, $0x0, v5;
	v5 =	vmovc v6;
	v6 =	vld [tilespmem:s23+$0x4000]  }
0x197: {  	s22 =	sadd.s32 $0x1, s22;
	v11 =	vadd.s32 v2, v10;
	v9 =	vadd.s32 v3, v10;
	v10 =	vperm.xlane v10, v4;
	[tilespmem:s18+$0xC000] =	vst v12;
	s18 =	smov.u32 s19;
	s19 =	smov.u32 s23  }
0x198: {  	_ =	sdelay $0x1  }
0x199: {  	vm0 =	vlt.s32 v7, v11  }
0x19a: {  	vm1 =	vlt.s32 v8, v9;
	vm2 =	vlt.s32 v10, v9;
	v7 =	vand.u32 $0x7FFFFFFF, v6  }
0x19b: {  	vm3 =	vmor vm0, vm1;
	v60 =	vperm.xlane v7, v0;
	v61 =	vperm.xlane v7, v1  }
0x19c: {  	v62 =	vadd.s32 v2, v7;
	v63 =	vadd.s32 v3, v7;
	v7 =	vperm.xlane v7, v4  }
0x19d: {  	s16 =	sadd.s32 $0x1, s16;
	vm0 =	vmand vm0, vm1;
	vm12 =	vlt.s32 v60, v62;
	vm4 =	vlt.s32 v61, v63  }
0x19e: {  	p0 =	sne.s32 s16, $0x10;
	vm2 =	vmand vm3, vm2;
	vm13 =	vlt.s32 v7, v63;
	vm5 =	vmor vm12, vm4  }
.Ltmp19:
0x19f: {  	vm0 =	vmor vm0, vm2;
	vm1 =	vmand vm12, vm4;
	vm14 =	vmand vm5, vm13;
	(pc) =	sbr.rel @p0 .LBB2_2-.Ltmp19, $4  }
0x1a0: {  	v5 =	vnsel vm0, $0x0, v5;
	vm15 =	vmor vm1, vm14  }
0x1a1: {  	[tilespmem:s18+$0xC000] =	vst v5;
	v5 =	vnsel vm15, $0x0, v6  }
0x1a2: {  	s17 =	sadd.s32 s3, s17;
	[tilespmem:s19+$0xC000] =	vst v5  }
0x1a3: {  	[hbm4b:s17+s4] =	stream.linear.scatter [tilespmem:s13], [sflag:$0x4], $0x4000, $0x38;
	[tilespmem:$0x10000] =	vst v63  }
0x1a4: {  	s15 =	sadd.s32 $0x1, s15  }
0x1a5: {  	_ =	swait.ge [sflag:s14], $0x4000;
	p0 =	sne.s32 s15, s7  }
.Ltmp20:
0x1a6: {  	[sflag:s14] =	ssyncset.done $0x0;
	(pc) =	sbr.rel @p0 .LBB2_1-.Ltmp20, $4  }
0x1a7: {  	[sflag:s14] =	ssyncadd.s32 $0xFFFFC000  }
0x1a8: {  	_ =	swait.ge [sflag:s12], $0x4000  }
0x1a9: {  	[sflag:s12] =	ssyncset.done $0x0  }
0x1aa: {  	[sflag:s12] =	ssyncadd.s32 $0xFFFFC000  }
0x1ab: {  	_ =	sfence.sel $0x180000  }
0x1ac: {  	[bflag:$0x0] =	sbarrier.arrive $0xFFFF  }
0x1ad: {  	p0 =	sne.s32 s2, $0x0;
	_ =	strace $0x90000047  }
0x1ae: {  	s0 =	sadd.s32 @!p0 $0x100000, s0;
	[bflag:$0x2] =	sbarrier.arrive $0xFFFF  }
0x1af: {  	[sflag:s0] =	ssyncadd.tile.s32 @!p0 $0x1;
	_ =	shalt  }
.Lfunc_end2:
_tile_overlayer_lowered:
.L_overlay_start_2:
0x1b0: {  	(tag) =	ssettag $0x2  }
0x1b1: {  	s0 =	rddreg [dreg:$0x0];
	s2 =	stileid.u32  }
0x1b2: {  	s1 =	rddreg [dreg:$0x1];
	p0 =	sne.s32 s2, $0x0  }
0x1b3: {  	s3 =	rddreg [dreg:$0x2];
	[bflag:$0x3] =	sbarrier.arrive $0xFFFF;
	s2 =	simm.s32 @!p0 $0x1C05  }
0x1b4: {  	[timem:s3], [sflag:s2] =	dma.local @!p0 [hbm:s0], s1  }
0x1b5: {  	s0 =	simm.s32 @!p0 $0x5  }
0x1b6: {  	_ =	swait.ge @!p0 [sflag:s0], s1  }
0x1b7: {  	s1 =	ssub.s32 @!p0 $0x0, s1;
	[sflag:s0] =	ssyncset.done @!p0 $0x0  }
0x1b8: {  	[sflag:s0] =	ssyncadd.s32 @!p0 s1  }
0x1b9: {  	[bflag:$0x3] =	sbarrier.arrive $0xFFFF  }
0x1ba: {  	_ =	shalt  }

</sc_bundles>
